<compile_context>
chip_gen: v7x
topology: tpu7x:2x2x1
jax: 0.10.2.dev20260603
libtpu: 0.0.44.dev20260713+nightly
codegen_flags: <defaults>
</compile_context>

<pallas_src>
import functools

import jax
import jax.numpy as jnp
from jax import lax
from jax.experimental import pallas as pl
from jax.experimental.pallas import tpu as pltpu
from jax.experimental.pallas import tpu_sc as plsc

NC = 2
NS = 16
NW = NC * NS
CH = 128

HID = 64
DEGW = 16


def _sc_mesh():
  return plsc.VectorSubcoreMesh(
      core_axis_name="c", subcore_axis_name="s", num_cores=NC, num_subcores=NS
  )


def _make_deg_kernel(n_pad, ept):
  kch = ept // CH
  rpw = n_pad // NS

  @functools.partial(
      pl.kernel,
      mesh=_sc_mesh(),
      compiler_params=pltpu.CompilerParams(use_tc_tiling_on_sc=False),
      out_type=jax.ShapeDtypeStruct((NC, n_pad, DEGW), jnp.float32),
      scratch_types=[
          pltpu.VMEM((kch, CH), jnp.int32),
          pltpu.VMEM((CH, DEGW), jnp.float32),
          pltpu.VMEM_SHARED((n_pad, DEGW), jnp.float32),
      ],
  )
  def deg_kernel(dst_hbm, zeros_hbm, ones_hbm, out_hbm, dst_v, ones_v, acc):
    c = lax.axis_index("c")
    s = lax.axis_index("s")
    wid = c * NS + s
    pltpu.sync_copy(dst_hbm.at[pl.ds(wid * kch, kch)], dst_v)
    pltpu.sync_copy(ones_hbm, ones_v)
    pltpu.sync_copy(
        zeros_hbm.at[pl.ds(s * rpw, rpw)], acc.at[pl.ds(s * rpw, rpw)]
    )
    plsc.subcore_barrier()

    def body(k, carry):
      pltpu.sync_copy(ones_v, acc.at[dst_v.at[k]], add=True)
      return carry

    lax.fori_loop(0, kch, body, 0)
    plsc.subcore_barrier()
    pltpu.sync_copy(
        acc.at[pl.ds(s * rpw, rpw)], out_hbm.at[c].at[pl.ds(s * rpw, rpw)]
    )

  return deg_kernel


def _make_agg_kernel(n_pad, ept):
  kch = ept // CH
  rpw = n_pad // NS

  @functools.partial(
      pl.kernel,
      mesh=_sc_mesh(),
      compiler_params=pltpu.CompilerParams(use_tc_tiling_on_sc=False),
      out_type=jax.ShapeDtypeStruct((NC, n_pad, HID), jnp.float32),
      scratch_types=[
          pltpu.VMEM((kch, CH), jnp.int32),
          pltpu.VMEM((kch, CH), jnp.int32),
          pltpu.VMEM((CH, HID), jnp.float32),
          pltpu.VMEM((CH, HID), jnp.float32),
          pltpu.VMEM((CH, HID), jnp.float32),
          pltpu.VMEM_SHARED((n_pad, HID), jnp.float32),
          pltpu.VMEM_SHARED((n_pad, HID), jnp.float32),
          pltpu.SemaphoreType.DMA,
          pltpu.SemaphoreType.DMA,
          pltpu.SemaphoreType.DMA,
      ],
  )
  def agg_kernel(hs_hbm, src_hbm, dst_hbm, out_hbm, src_v, dst_v, r0, r1, r2,
                 hst, acc, s0, s1, s2):
    c = lax.axis_index("c")
    s = lax.axis_index("s")
    wid = c * NS + s
    pltpu.sync_copy(src_hbm.at[pl.ds(wid * kch, kch)], src_v)
    pltpu.sync_copy(dst_hbm.at[pl.ds(wid * kch, kch)], dst_v)
    pltpu.sync_copy(hs_hbm.at[pl.ds(s * rpw, rpw)], hst.at[pl.ds(s * rpw, rpw)])
    pltpu.sync_copy(hs_hbm.at[pl.ds(s * rpw, rpw)], acc.at[pl.ds(s * rpw, rpw)])
    plsc.subcore_barrier()

    pltpu.async_copy(hst.at[src_v.at[0]], r0, s0)
    pltpu.async_copy(hst.at[src_v.at[1]], r1, s1)
    pltpu.async_copy(hst.at[src_v.at[2]], r2, s2)

    def body(j, carry):
      k = 3 * j
      pltpu.make_async_copy(hst.at[src_v.at[k]], r0, s0).wait()
      pltpu.sync_copy(r0, acc.at[dst_v.at[k]], add=True)
      pltpu.async_copy(hst.at[src_v.at[k + 3]], r0, s0)
      pltpu.make_async_copy(hst.at[src_v.at[k + 1]], r1, s1).wait()
      pltpu.sync_copy(r1, acc.at[dst_v.at[k + 1]], add=True)
      pltpu.async_copy(hst.at[src_v.at[k + 4]], r1, s1)
      pltpu.make_async_copy(hst.at[src_v.at[k + 2]], r2, s2).wait()
      pltpu.sync_copy(r2, acc.at[dst_v.at[k + 2]], add=True)
      pltpu.async_copy(hst.at[src_v.at[k + 5]], r2, s2)
      return carry

    lax.fori_loop(0, kch // 3 - 1, body, 0)
    ke = kch - 3
    pltpu.make_async_copy(hst.at[src_v.at[ke]], r0, s0).wait()
    pltpu.sync_copy(r0, acc.at[dst_v.at[ke]], add=True)
    pltpu.make_async_copy(hst.at[src_v.at[ke + 1]], r1, s1).wait()
    pltpu.sync_copy(r1, acc.at[dst_v.at[ke + 1]], add=True)
    pltpu.make_async_copy(hst.at[src_v.at[ke + 2]], r2, s2).wait()
    pltpu.sync_copy(r2, acc.at[dst_v.at[ke + 2]], add=True)

    plsc.subcore_barrier()
    pltpu.sync_copy(
        acc.at[pl.ds(s * rpw, rpw)], out_hbm.at[c].at[pl.ds(s * rpw, rpw)]
    )

  return agg_kernel


def _dis_from_parts(dp_blk):
  deg = dp_blk[0, :, :1] + dp_blk[1, :, :1] + 1.0
  return lax.rsqrt(deg)


def _tc1_body(x_ref, w1_ref, dp_ref, hs_ref):
  dis = _dis_from_parts(dp_ref[...])
  h = jnp.dot(x_ref[...], w1_ref[...], preferred_element_type=jnp.float32)
  hs_ref[...] = h * dis


def _tc2_body(agg_ref, hs1_ref, dp_ref, b1_ref, hs2_ref):
  dis = _dis_from_parts(dp_ref[...])
  a = agg_ref[0] + agg_ref[1] - hs1_ref[...]
  t = jnp.maximum(a * dis + b1_ref[...], 0.0)
  hs2_ref[...] = t * dis


def _tc3_body(agg_ref, hs2_ref, dp_ref, w2_ref, b2_ref, out_ref, *, out_dim):
  dis = _dis_from_parts(dp_ref[...])
  u = (agg_ref[0] + agg_ref[1] - hs2_ref[...]) * dis
  h2 = jnp.dot(u, w2_ref[...], preferred_element_type=jnp.float32)
  h2 = h2 + b2_ref[...]
  col = lax.broadcasted_iota(jnp.int32, h2.shape, 1)
  h2m = jnp.where(col < out_dim, h2, -jnp.inf)
  m = jnp.max(h2m, axis=1, keepdims=True)
  lse = m + jnp.log(jnp.sum(jnp.exp(h2m - m), axis=1, keepdims=True))
  out_ref[...] = h2 - lse


def kernel(x, edge_index, W1, b1, W2, b2):
  n, in_dim = x.shape
  e = edge_index.shape[1]
  hid = W1.shape[1]
  out_dim = W2.shape[1]

  br = 512
  n_pad = ((n + 1 + br - 1) // br) * br
  epg = NW * CH * 3
  e_pad = ((e + epg - 1) // epg) * epg
  ept = e_pad // NW
  grid = n_pad // br

  ei = edge_index.astype(jnp.int32)
  pad_idx = jnp.full((e_pad - e,), n, jnp.int32)
  src_p = jnp.concatenate([ei[0], pad_idx]).reshape(e_pad // CH, CH)
  dst_p = jnp.concatenate([ei[1], pad_idx]).reshape(e_pad // CH, CH)
  x_p = jnp.concatenate([x, jnp.zeros((n_pad - n, in_dim), x.dtype)])

  deg_kernel = _make_deg_kernel(n_pad, ept)
  deg_parts = deg_kernel(
      dst_p, jnp.zeros((n_pad, DEGW), jnp.float32),
      jnp.ones((CH, DEGW), jnp.float32)
  )

  hs1 = pl.pallas_call(
      _tc1_body,
      grid=(grid,),
      in_specs=[
          pl.BlockSpec((br, in_dim), lambda i: (i, 0)),
          pl.BlockSpec((in_dim, hid), lambda i: (0, 0)),
          pl.BlockSpec((NC, br, DEGW), lambda i: (0, i, 0)),
      ],
      out_specs=pl.BlockSpec((br, hid), lambda i: (i, 0)),
      out_shape=jax.ShapeDtypeStruct((n_pad, hid), jnp.float32),
  )(x_p, W1, deg_parts)

  agg_kernel = _make_agg_kernel(n_pad, ept)

  agg1 = agg_kernel(hs1, src_p, dst_p)

  hs2 = pl.pallas_call(
      _tc2_body,
      grid=(grid,),
      in_specs=[
          pl.BlockSpec((NC, br, hid), lambda i: (0, i, 0)),
          pl.BlockSpec((br, hid), lambda i: (i, 0)),
          pl.BlockSpec((NC, br, DEGW), lambda i: (0, i, 0)),
          pl.BlockSpec((1, hid), lambda i: (0, 0)),
      ],
      out_specs=pl.BlockSpec((br, hid), lambda i: (i, 0)),
      out_shape=jax.ShapeDtypeStruct((n_pad, hid), jnp.float32),
  )(agg1, hs1, deg_parts, b1.reshape(1, hid))

  agg2 = agg_kernel(hs2, src_p, dst_p)

  ow = 128
  w2_p = jnp.zeros((hid, ow), jnp.float32).at[:, :out_dim].set(W2)
  b2_p = jnp.zeros((1, ow), jnp.float32).at[0, :out_dim].set(b2)
  out = pl.pallas_call(
      functools.partial(_tc3_body, out_dim=out_dim),
      grid=(grid,),
      in_specs=[
          pl.BlockSpec((NC, br, hid), lambda i: (0, i, 0)),
          pl.BlockSpec((br, hid), lambda i: (i, 0)),
          pl.BlockSpec((NC, br, DEGW), lambda i: (0, i, 0)),
          pl.BlockSpec((hid, ow), lambda i: (0, 0)),
          pl.BlockSpec((1, ow), lambda i: (0, 0)),
      ],
      out_specs=pl.BlockSpec((br, ow), lambda i: (i, 0)),
      out_shape=jax.ShapeDtypeStruct((n_pad, ow), jnp.float32),
  )(agg2, hs2, deg_parts, w2_p, b2_p)

  return out[:n, :out_dim]

# --- scband reference (transcript-rebuilt; emitter-appended) ---
"""Pipeline reference for scband-proposed-gcn-4569845203117 (READ-ONLY COPY).

The authoritative reference and input builder live on the scoring server;
editing this copy changes nothing except your own understanding.
"""

import jax, jax.numpy as jnp
import numpy as np

N_NODES = 10000
N_EDGES = 320000
IN_DIM = 128
HID_DIM = 64
OUT_DIM = 3


def setup_inputs(seed: int = 0) -> dict:
    key = jax.random.key(seed)
    k1, k2, k3, k4, k5, k6 = jax.random.split(key, 6)
    x = jax.random.normal(k1, (N_NODES, IN_DIM), dtype=jnp.float32)
    edge_index = jax.random.randint(k2, (2, N_EDGES), 0, N_NODES, dtype=jnp.int64)
    # GCNConv layer 1 params (glorot-like init)
    W1 = jax.random.normal(k3, (IN_DIM, HID_DIM), dtype=jnp.float32) * (1.0 / np.sqrt(IN_DIM))
    b1 = jnp.zeros((HID_DIM,), dtype=jnp.float32)
    # GCNConv layer 2 params
    W2 = jax.random.normal(k4, (HID_DIM, OUT_DIM), dtype=jnp.float32) * (1.0 / np.sqrt(HID_DIM))
    b2 = jnp.zeros((OUT_DIM,), dtype=jnp.float32)
    return {"x": x, "edge_index": edge_index, "W1": W1, "b1": b1, "W2": W2, "b2": b2}


def _gcn_conv(x, edge_index, W, b, num_nodes):
    # Faithful PyG GCNConv: x' = D^{-1/2} (A + I) D^{-1/2} (X W) + b
    h = x @ W
    src = edge_index[0]
    dst = edge_index[1]
    # add self loops
    loop = jnp.arange(num_nodes, dtype=src.dtype)
    src = jnp.concatenate([src, loop])
    dst = jnp.concatenate([dst, loop])
    # symmetric normalization (degree computed on dst/col with unit edge weights)
    deg = jnp.zeros((num_nodes,), dtype=h.dtype).at[dst].add(1.0)
    deg_inv_sqrt = jnp.where(deg > 0, jax.lax.rsqrt(deg), 0.0)
    norm = deg_inv_sqrt[src] * deg_inv_sqrt[dst]
    # gather-message-scatter
    msg = h[src] * norm[:, None]
    out = jnp.zeros((num_nodes, h.shape[1]), dtype=h.dtype).at[dst].add(msg)
    return out + b


def reference(x, edge_index, W1, b1, W2, b2):
    num_nodes = x.shape[0]
    h = _gcn_conv(x, edge_index, W1, b1, num_nodes)
    h = jax.nn.relu(h)
    h = _gcn_conv(h, edge_index, W2, b2, num_nodes)
    return jax.nn.log_softmax(h, axis=1)

if __name__ == "__main__":
    import jax
    _d = setup_inputs()
    print(jax.jit(kernel)(*tuple(_d.values())))

</pallas_src>

<mosaic_0001>
#map = affine_map<(d0, d1) -> (0, 0)>
#map1 = affine_map<(d0, d1) -> (0, 0, 0)>
module attributes {stable_mosaic.version = 14 : i64} {
  func.func @agg_kernel(%arg0: i32, %arg1: i32, %arg2: memref<10240x64xf32, #tpu.memory_space<hbm>>, %arg3: memref<2592x128xi32, #tpu.memory_space<hbm>>, %arg4: memref<2592x128xi32, #tpu.memory_space<hbm>>, %arg5: memref<2x10240x64xf32, #tpu.memory_space<hbm>>, %arg6: memref<81x128xi32, #tpu.memory_space<vmem>>, %arg7: memref<81x128xi32, #tpu.memory_space<vmem>>, %arg8: memref<128x64xf32, #tpu.memory_space<vmem>>, %arg9: memref<128x64xf32, #tpu.memory_space<vmem>>, %arg10: memref<128x64xf32, #tpu.memory_space<vmem>>, %arg11: memref<10240x64xf32, #tpu.memory_space<vmem_shared>>, %arg12: memref<10240x64xf32, #tpu.memory_space<vmem_shared>>, %arg13: memref<!tpu.dma_semaphore, #tpu.memory_space<semaphore_mem>>, %arg14: memref<!tpu.dma_semaphore, #tpu.memory_space<semaphore_mem>>, %arg15: memref<!tpu.dma_semaphore, #tpu.memory_space<semaphore_mem>>) attributes {dimension_semantics = [#tpu.dimension_semantics<core_parallel>, #tpu.dimension_semantics<subcore_parallel>], iteration_bounds = array<i64: 2, 16>, scalar_prefetch = 0 : i64, scratch_operands = 10 : i64, tpu.core_type = #tpu.core_type<sc_vector_subcore>, window_params = [{transform_indices = #map}, {transform_indices = #map}, {transform_indices = #map}, {transform_indices = #map1}]} {
    %mul3A = arith.constant 16 : i32
    %mul3A_0 = arith.muli %arg0, %mul3A : i32
    %add3A = arith.addi %mul3A_0, %arg1 : i32
    %mul3A_1 = arith.constant 81 : i32
    %mul3A_2 = arith.muli %add3A, %mul3A_1 : i32
    "tpu.region"() ({
      %run_scoped3A_65 = tpu.sem_alloc : memref<!tpu.dma_semaphore, #tpu.memory_space<semaphore_mem>>
      %dma_start3A_66 = arith.constant 0 : i32
      %dma_start3A_67 = tpu.memref_slice %arg3[%mul3A_2, %dma_start3A_66] : memref<2592x128xi32, #tpu.memory_space<hbm>> -> memref<81x128xi32, #tpu.memory_space<hbm>>
      %dma_start3A_68 = arith.constant 0 : i32
      %dma_start3A_69 = tpu.memref_slice %arg3[%mul3A_2, %dma_start3A_68] : memref<2592x128xi32, #tpu.memory_space<hbm>> -> memref<81x128xi32, #tpu.memory_space<hbm>>
      tpu.enqueue_dma source(%dma_start3A_69 : memref<81x128xi32, #tpu.memory_space<hbm>>) target(%arg6 : memref<81x128xi32, #tpu.memory_space<vmem>>) target_semaphore(%run_scoped3A_65 : memref<!tpu.dma_semaphore, #tpu.memory_space<semaphore_mem>>)
      %dma_wait3A_70 = arith.constant 0 : i32
      %dma_wait3A_71 = tpu.memref_slice %arg3[%mul3A_2, %dma_wait3A_70] : memref<2592x128xi32, #tpu.memory_space<hbm>> -> memref<81x128xi32, #tpu.memory_space<hbm>>
      %dma_wait3A_72 = arith.constant 0 : i32
      %dma_wait3A_73 = tpu.memref_slice %arg3[%mul3A_2, %dma_wait3A_72] : memref<2592x128xi32, #tpu.memory_space<hbm>> -> memref<81x128xi32, #tpu.memory_space<hbm>>
      tpu.wait_dma2 semaphore(%run_scoped3A_65 : memref<!tpu.dma_semaphore, #tpu.memory_space<semaphore_mem>>) src(%dma_wait3A_73 : memref<81x128xi32, #tpu.memory_space<hbm>>) dst(%arg6 : memref<81x128xi32, #tpu.memory_space<vmem>>)
      tpu.yield
    }) : () -> ()
    %mul3A_3 = arith.constant 81 : i32
    %mul3A_4 = arith.muli %add3A, %mul3A_3 : i32
    "tpu.region"() ({
      %run_scoped3A_65 = tpu.sem_alloc : memref<!tpu.dma_semaphore, #tpu.memory_space<semaphore_mem>>
      %dma_start3A_66 = arith.constant 0 : i32
      %dma_start3A_67 = tpu.memref_slice %arg4[%mul3A_4, %dma_start3A_66] : memref<2592x128xi32, #tpu.memory_space<hbm>> -> memref<81x128xi32, #tpu.memory_space<hbm>>
      %dma_start3A_68 = arith.constant 0 : i32
      %dma_start3A_69 = tpu.memref_slice %arg4[%mul3A_4, %dma_start3A_68] : memref<2592x128xi32, #tpu.memory_space<hbm>> -> memref<81x128xi32, #tpu.memory_space<hbm>>
      tpu.enqueue_dma source(%dma_start3A_69 : memref<81x128xi32, #tpu.memory_space<hbm>>) target(%arg7 : memref<81x128xi32, #tpu.memory_space<vmem>>) target_semaphore(%run_scoped3A_65 : memref<!tpu.dma_semaphore, #tpu.memory_space<semaphore_mem>>)
      %dma_wait3A_70 = arith.constant 0 : i32
      %dma_wait3A_71 = tpu.memref_slice %arg4[%mul3A_4, %dma_wait3A_70] : memref<2592x128xi32, #tpu.memory_space<hbm>> -> memref<81x128xi32, #tpu.memory_space<hbm>>
      %dma_wait3A_72 = arith.constant 0 : i32
      %dma_wait3A_73 = tpu.memref_slice %arg4[%mul3A_4, %dma_wait3A_72] : memref<2592x128xi32, #tpu.memory_space<hbm>> -> memref<81x128xi32, #tpu.memory_space<hbm>>
      tpu.wait_dma2 semaphore(%run_scoped3A_65 : memref<!tpu.dma_semaphore, #tpu.memory_space<semaphore_mem>>) src(%dma_wait3A_73 : memref<81x128xi32, #tpu.memory_space<hbm>>) dst(%arg7 : memref<81x128xi32, #tpu.memory_space<vmem>>)
      tpu.yield
    }) : () -> ()
    %mul3A_5 = arith.constant 640 : i32
    %mul3A_6 = arith.muli %arg1, %mul3A_5 : i32
    %mul3A_7 = arith.constant 640 : i32
    %mul3A_8 = arith.muli %arg1, %mul3A_7 : i32
    "tpu.region"() ({
      %run_scoped3A_65 = tpu.sem_alloc : memref<!tpu.dma_semaphore, #tpu.memory_space<semaphore_mem>>
      %dma_start3A_66 = arith.constant 0 : i32
      %dma_start3A_67 = tpu.memref_slice %arg11[%mul3A_8, %dma_start3A_66] : memref<10240x64xf32, #tpu.memory_space<vmem_shared>> -> memref<640x64xf32, #tpu.memory_space<vmem_shared>>
      %dma_start3A_68 = arith.constant 0 : i32
      %dma_start3A_69 = tpu.memref_slice %arg2[%mul3A_6, %dma_start3A_68] : memref<10240x64xf32, #tpu.memory_space<hbm>> -> memref<640x64xf32, #tpu.memory_space<hbm>>
      tpu.enqueue_dma source(%dma_start3A_69 : memref<640x64xf32, #tpu.memory_space<hbm>>) target(%dma_start3A_67 : memref<640x64xf32, #tpu.memory_space<vmem_shared>>) target_semaphore(%run_scoped3A_65 : memref<!tpu.dma_semaphore, #tpu.memory_space<semaphore_mem>>)
      %dma_wait3A_70 = arith.constant 0 : i32
      %dma_wait3A_71 = tpu.memref_slice %arg11[%mul3A_8, %dma_wait3A_70] : memref<10240x64xf32, #tpu.memory_space<vmem_shared>> -> memref<640x64xf32, #tpu.memory_space<vmem_shared>>
      %dma_wait3A_72 = arith.constant 0 : i32
      %dma_wait3A_73 = tpu.memref_slice %arg2[%mul3A_6, %dma_wait3A_72] : memref<10240x64xf32, #tpu.memory_space<hbm>> -> memref<640x64xf32, #tpu.memory_space<hbm>>
      tpu.wait_dma2 semaphore(%run_scoped3A_65 : memref<!tpu.dma_semaphore, #tpu.memory_space<semaphore_mem>>) src(%dma_wait3A_73 : memref<640x64xf32, #tpu.memory_space<hbm>>) dst(%dma_wait3A_71 : memref<640x64xf32, #tpu.memory_space<vmem_shared>>)
      tpu.yield
    }) : () -> ()
    %mul3A_9 = arith.constant 640 : i32
    %mul3A_10 = arith.muli %arg1, %mul3A_9 : i32
    %mul3A_11 = arith.constant 640 : i32
    %mul3A_12 = arith.muli %arg1, %mul3A_11 : i32
    "tpu.region"() ({
      %run_scoped3A_65 = tpu.sem_alloc : memref<!tpu.dma_semaphore, #tpu.memory_space<semaphore_mem>>
      %dma_start3A_66 = arith.constant 0 : i32
      %dma_start3A_67 = tpu.memref_slice %arg12[%mul3A_12, %dma_start3A_66] : memref<10240x64xf32, #tpu.memory_space<vmem_shared>> -> memref<640x64xf32, #tpu.memory_space<vmem_shared>>
      %dma_start3A_68 = arith.constant 0 : i32
      %dma_start3A_69 = tpu.memref_slice %arg2[%mul3A_10, %dma_start3A_68] : memref<10240x64xf32, #tpu.memory_space<hbm>> -> memref<640x64xf32, #tpu.memory_space<hbm>>
      tpu.enqueue_dma source(%dma_start3A_69 : memref<640x64xf32, #tpu.memory_space<hbm>>) target(%dma_start3A_67 : memref<640x64xf32, #tpu.memory_space<vmem_shared>>) target_semaphore(%run_scoped3A_65 : memref<!tpu.dma_semaphore, #tpu.memory_space<semaphore_mem>>)
      %dma_wait3A_70 = arith.constant 0 : i32
      %dma_wait3A_71 = tpu.memref_slice %arg12[%mul3A_12, %dma_wait3A_70] : memref<10240x64xf32, #tpu.memory_space<vmem_shared>> -> memref<640x64xf32, #tpu.memory_space<vmem_shared>>
      %dma_wait3A_72 = arith.constant 0 : i32
      %dma_wait3A_73 = tpu.memref_slice %arg2[%mul3A_10, %dma_wait3A_72] : memref<10240x64xf32, #tpu.memory_space<hbm>> -> memref<640x64xf32, #tpu.memory_space<hbm>>
      tpu.wait_dma2 semaphore(%run_scoped3A_65 : memref<!tpu.dma_semaphore, #tpu.memory_space<semaphore_mem>>) src(%dma_wait3A_73 : memref<640x64xf32, #tpu.memory_space<hbm>>) dst(%dma_wait3A_71 : memref<640x64xf32, #tpu.memory_space<vmem_shared>>)
      tpu.yield
    }) : () -> ()
    %barrier3A = arith.constant 0 : index
    tpu.barrier barrier_id(%barrier3A)
    %dma_start3A = arith.constant 0 : i32
    %dma_start3A_13 = arith.constant 0 : i32
    %dma_start3A_14 = tpu.memref_slice %arg6[%dma_start3A, %dma_start3A_13] : memref<81x128xi32, #tpu.memory_space<vmem>> -> memref<1x128xi32, #tpu.memory_space<vmem>>
    %dma_start3A_15 = tpu.memref_squeeze %dma_start3A_14 : memref<1x128xi32, #tpu.memory_space<vmem>> -> memref<128xi32, #tpu.memory_space<vmem>>
    %dma_start3A_16 = arith.constant 0 : i32
    %dma_start3A_17 = arith.constant 0 : i32
    %dma_start3A_18 = tpu.memref_slice %arg11[%dma_start3A_16, %dma_start3A_17] : memref<10240x64xf32, #tpu.memory_space<vmem_shared>> -> memref<10240x64xf32, #tpu.memory_space<vmem_shared>>
    tpu.enqueue_indirect_dma source(%dma_start3A_18 : memref<10240x64xf32, #tpu.memory_space<vmem_shared>>) target(%arg8 : memref<128x64xf32, #tpu.memory_space<vmem>>) offsets(%dma_start3A_15 : memref<128xi32, #tpu.memory_space<vmem>>) semaphore(%arg13 : memref<!tpu.dma_semaphore, #tpu.memory_space<semaphore_mem>>)
    %dma_start3A_19 = arith.constant 1 : i32
    %dma_start3A_20 = arith.constant 0 : i32
    %dma_start3A_21 = tpu.memref_slice %arg6[%dma_start3A_19, %dma_start3A_20] : memref<81x128xi32, #tpu.memory_space<vmem>> -> memref<1x128xi32, #tpu.memory_space<vmem>>
    %dma_start3A_22 = tpu.memref_squeeze %dma_start3A_21 : memref<1x128xi32, #tpu.memory_space<vmem>> -> memref<128xi32, #tpu.memory_space<vmem>>
    %dma_start3A_23 = arith.constant 0 : i32
    %dma_start3A_24 = arith.constant 0 : i32
    %dma_start3A_25 = tpu.memref_slice %arg11[%dma_start3A_23, %dma_start3A_24] : memref<10240x64xf32, #tpu.memory_space<vmem_shared>> -> memref<10240x64xf32, #tpu.memory_space<vmem_shared>>
    tpu.enqueue_indirect_dma source(%dma_start3A_25 : memref<10240x64xf32, #tpu.memory_space<vmem_shared>>) target(%arg9 : memref<128x64xf32, #tpu.memory_space<vmem>>) offsets(%dma_start3A_22 : memref<128xi32, #tpu.memory_space<vmem>>) semaphore(%arg14 : memref<!tpu.dma_semaphore, #tpu.memory_space<semaphore_mem>>)
    %dma_start3A_26 = arith.constant 2 : i32
    %dma_start3A_27 = arith.constant 0 : i32
    %dma_start3A_28 = tpu.memref_slice %arg6[%dma_start3A_26, %dma_start3A_27] : memref<81x128xi32, #tpu.memory_space<vmem>> -> memref<1x128xi32, #tpu.memory_space<vmem>>
    %dma_start3A_29 = tpu.memref_squeeze %dma_start3A_28 : memref<1x128xi32, #tpu.memory_space<vmem>> -> memref<128xi32, #tpu.memory_space<vmem>>
    %dma_start3A_30 = arith.constant 0 : i32
    %dma_start3A_31 = arith.constant 0 : i32
    %dma_start3A_32 = tpu.memref_slice %arg11[%dma_start3A_30, %dma_start3A_31] : memref<10240x64xf32, #tpu.memory_space<vmem_shared>> -> memref<10240x64xf32, #tpu.memory_space<vmem_shared>>
    tpu.enqueue_indirect_dma source(%dma_start3A_32 : memref<10240x64xf32, #tpu.memory_space<vmem_shared>>) target(%arg10 : memref<128x64xf32, #tpu.memory_space<vmem>>) offsets(%dma_start3A_29 : memref<128xi32, #tpu.memory_space<vmem>>) semaphore(%arg15 : memref<!tpu.dma_semaphore, #tpu.memory_space<semaphore_mem>>)
    %scan3A = arith.constant 0 : i32
    %scan3A_33 = arith.constant 0 : i32
    %scan3A_34 = arith.constant 26 : i32
    %scan3A_35 = arith.addi %scan3A_33, %scan3A_34 : i32
    %scan3A_36 = arith.constant 1 : i32
    scf.for %scan3A_65 = %scan3A_33 to %scan3A_35 step %scan3A_36  : i32 {
      %mul3A_66 = arith.constant 3 : i32
      %mul3A_67 = arith.muli %mul3A_66, %scan3A_65 : i32
      %dma_wait3A_68 = arith.constant 0 : i32
      %dma_wait3A_69 = tpu.memref_slice %arg6[%mul3A_67, %dma_wait3A_68] : memref<81x128xi32, #tpu.memory_space<vmem>> -> memref<1x128xi32, #tpu.memory_space<vmem>>
      %dma_wait3A_70 = tpu.memref_squeeze %dma_wait3A_69 : memref<1x128xi32, #tpu.memory_space<vmem>> -> memref<128xi32, #tpu.memory_space<vmem>>
      %dma_wait3A_71 = arith.constant 0 : i32
      %dma_wait3A_72 = arith.constant 0 : i32
      %dma_wait3A_73 = tpu.memref_slice %arg11[%dma_wait3A_71, %dma_wait3A_72] : memref<10240x64xf32, #tpu.memory_space<vmem_shared>> -> memref<10240x64xf32, #tpu.memory_space<vmem_shared>>
      tpu.wait_indirect_dma semaphore(%arg13 : memref<!tpu.dma_semaphore, #tpu.memory_space<semaphore_mem>>) src(%dma_wait3A_73 : memref<10240x64xf32, #tpu.memory_space<vmem_shared>>) dst(%arg8 : memref<128x64xf32, #tpu.memory_space<vmem>>)
      "tpu.region"() ({
        %run_scoped3A_118 = tpu.sem_alloc : memref<!tpu.dma_semaphore, #tpu.memory_space<semaphore_mem>>
        %dma_start3A_119 = arith.constant 0 : i32
        %dma_start3A_120 = tpu.memref_slice %arg7[%mul3A_67, %dma_start3A_119] : memref<81x128xi32, #tpu.memory_space<vmem>> -> memref<1x128xi32, #tpu.memory_space<vmem>>
        %dma_start3A_121 = tpu.memref_squeeze %dma_start3A_120 : memref<1x128xi32, #tpu.memory_space<vmem>> -> memref<128xi32, #tpu.memory_space<vmem>>
        %dma_start3A_122 = arith.constant 0 : i32
        %dma_start3A_123 = arith.constant 0 : i32
        %dma_start3A_124 = tpu.memref_slice %arg12[%dma_start3A_122, %dma_start3A_123] : memref<10240x64xf32, #tpu.memory_space<vmem_shared>> -> memref<10240x64xf32, #tpu.memory_space<vmem_shared>>
        tpu.enqueue_indirect_dma source(%arg8 : memref<128x64xf32, #tpu.memory_space<vmem>>) target(%dma_start3A_124 : memref<10240x64xf32, #tpu.memory_space<vmem_shared>>) offsets(%dma_start3A_121 : memref<128xi32, #tpu.memory_space<vmem>>) semaphore(%run_scoped3A_118 : memref<!tpu.dma_semaphore, #tpu.memory_space<semaphore_mem>>) {add = true}
        %dma_wait3A_125 = arith.constant 0 : i32
        %dma_wait3A_126 = tpu.memref_slice %arg7[%mul3A_67, %dma_wait3A_125] : memref<81x128xi32, #tpu.memory_space<vmem>> -> memref<1x128xi32, #tpu.memory_space<vmem>>
        %dma_wait3A_127 = tpu.memref_squeeze %dma_wait3A_126 : memref<1x128xi32, #tpu.memory_space<vmem>> -> memref<128xi32, #tpu.memory_space<vmem>>
        %dma_wait3A_128 = arith.constant 0 : i32
        %dma_wait3A_129 = arith.constant 0 : i32
        %dma_wait3A_130 = tpu.memref_slice %arg12[%dma_wait3A_128, %dma_wait3A_129] : memref<10240x64xf32, #tpu.memory_space<vmem_shared>> -> memref<10240x64xf32, #tpu.memory_space<vmem_shared>>
        tpu.wait_indirect_dma semaphore(%run_scoped3A_118 : memref<!tpu.dma_semaphore, #tpu.memory_space<semaphore_mem>>) src(%arg8 : memref<128x64xf32, #tpu.memory_space<vmem>>) dst(%dma_wait3A_130 : memref<10240x64xf32, #tpu.memory_space<vmem_shared>>)
        tpu.yield
      }) : () -> ()
      %add3A_74 = arith.constant 3 : i32
      %add3A_75 = arith.addi %mul3A_67, %add3A_74 : i32
      %dma_start3A_76 = arith.constant 0 : i32
      %dma_start3A_77 = tpu.memref_slice %arg6[%add3A_75, %dma_start3A_76] : memref<81x128xi32, #tpu.memory_space<vmem>> -> memref<1x128xi32, #tpu.memory_space<vmem>>
      %dma_start3A_78 = tpu.memref_squeeze %dma_start3A_77 : memref<1x128xi32, #tpu.memory_space<vmem>> -> memref<128xi32, #tpu.memory_space<vmem>>
      %dma_start3A_79 = arith.constant 0 : i32
      %dma_start3A_80 = arith.constant 0 : i32
      %dma_start3A_81 = tpu.memref_slice %arg11[%dma_start3A_79, %dma_start3A_80] : memref<10240x64xf32, #tpu.memory_space<vmem_shared>> -> memref<10240x64xf32, #tpu.memory_space<vmem_shared>>
      tpu.enqueue_indirect_dma source(%dma_start3A_81 : memref<10240x64xf32, #tpu.memory_space<vmem_shared>>) target(%arg8 : memref<128x64xf32, #tpu.memory_space<vmem>>) offsets(%dma_start3A_78 : memref<128xi32, #tpu.memory_space<vmem>>) semaphore(%arg13 : memref<!tpu.dma_semaphore, #tpu.memory_space<semaphore_mem>>)
      %add3A_82 = arith.constant 1 : i32
      %add3A_83 = arith.addi %mul3A_67, %add3A_82 : i32
      %dma_wait3A_84 = arith.constant 0 : i32
      %dma_wait3A_85 = tpu.memref_slice %arg6[%add3A_83, %dma_wait3A_84] : memref<81x128xi32, #tpu.memory_space<vmem>> -> memref<1x128xi32, #tpu.memory_space<vmem>>
      %dma_wait3A_86 = tpu.memref_squeeze %dma_wait3A_85 : memref<1x128xi32, #tpu.memory_space<vmem>> -> memref<128xi32, #tpu.memory_space<vmem>>
      %dma_wait3A_87 = arith.constant 0 : i32
      %dma_wait3A_88 = arith.constant 0 : i32
      %dma_wait3A_89 = tpu.memref_slice %arg11[%dma_wait3A_87, %dma_wait3A_88] : memref<10240x64xf32, #tpu.memory_space<vmem_shared>> -> memref<10240x64xf32, #tpu.memory_space<vmem_shared>>
      tpu.wait_indirect_dma semaphore(%arg14 : memref<!tpu.dma_semaphore, #tpu.memory_space<semaphore_mem>>) src(%dma_wait3A_89 : memref<10240x64xf32, #tpu.memory_space<vmem_shared>>) dst(%arg9 : memref<128x64xf32, #tpu.memory_space<vmem>>)
      %add3A_90 = arith.constant 1 : i32
      %add3A_91 = arith.addi %mul3A_67, %add3A_90 : i32
      "tpu.region"() ({
        %run_scoped3A_118 = tpu.sem_alloc : memref<!tpu.dma_semaphore, #tpu.memory_space<semaphore_mem>>
        %dma_start3A_119 = arith.constant 0 : i32
        %dma_start3A_120 = tpu.memref_slice %arg7[%add3A_91, %dma_start3A_119] : memref<81x128xi32, #tpu.memory_space<vmem>> -> memref<1x128xi32, #tpu.memory_space<vmem>>
        %dma_start3A_121 = tpu.memref_squeeze %dma_start3A_120 : memref<1x128xi32, #tpu.memory_space<vmem>> -> memref<128xi32, #tpu.memory_space<vmem>>
        %dma_start3A_122 = arith.constant 0 : i32
        %dma_start3A_123 = arith.constant 0 : i32
        %dma_start3A_124 = tpu.memref_slice %arg12[%dma_start3A_122, %dma_start3A_123] : memref<10240x64xf32, #tpu.memory_space<vmem_shared>> -> memref<10240x64xf32, #tpu.memory_space<vmem_shared>>
        tpu.enqueue_indirect_dma source(%arg9 : memref<128x64xf32, #tpu.memory_space<vmem>>) target(%dma_start3A_124 : memref<10240x64xf32, #tpu.memory_space<vmem_shared>>) offsets(%dma_start3A_121 : memref<128xi32, #tpu.memory_space<vmem>>) semaphore(%run_scoped3A_118 : memref<!tpu.dma_semaphore, #tpu.memory_space<semaphore_mem>>) {add = true}
        %dma_wait3A_125 = arith.constant 0 : i32
        %dma_wait3A_126 = tpu.memref_slice %arg7[%add3A_91, %dma_wait3A_125] : memref<81x128xi32, #tpu.memory_space<vmem>> -> memref<1x128xi32, #tpu.memory_space<vmem>>
        %dma_wait3A_127 = tpu.memref_squeeze %dma_wait3A_126 : memref<1x128xi32, #tpu.memory_space<vmem>> -> memref<128xi32, #tpu.memory_space<vmem>>
        %dma_wait3A_128 = arith.constant 0 : i32
        %dma_wait3A_129 = arith.constant 0 : i32
        %dma_wait3A_130 = tpu.memref_slice %arg12[%dma_wait3A_128, %dma_wait3A_129] : memref<10240x64xf32, #tpu.memory_space<vmem_shared>> -> memref<10240x64xf32, #tpu.memory_space<vmem_shared>>
        tpu.wait_indirect_dma semaphore(%run_scoped3A_118 : memref<!tpu.dma_semaphore, #tpu.memory_space<semaphore_mem>>) src(%arg9 : memref<128x64xf32, #tpu.memory_space<vmem>>) dst(%dma_wait3A_130 : memref<10240x64xf32, #tpu.memory_space<vmem_shared>>)
        tpu.yield
      }) : () -> ()
      %add3A_92 = arith.constant 4 : i32
      %add3A_93 = arith.addi %mul3A_67, %add3A_92 : i32
      %dma_start3A_94 = arith.constant 0 : i32
      %dma_start3A_95 = tpu.memref_slice %arg6[%add3A_93, %dma_start3A_94] : memref<81x128xi32, #tpu.memory_space<vmem>> -> memref<1x128xi32, #tpu.memory_space<vmem>>
      %dma_start3A_96 = tpu.memref_squeeze %dma_start3A_95 : memref<1x128xi32, #tpu.memory_space<vmem>> -> memref<128xi32, #tpu.memory_space<vmem>>
      %dma_start3A_97 = arith.constant 0 : i32
      %dma_start3A_98 = arith.constant 0 : i32
      %dma_start3A_99 = tpu.memref_slice %arg11[%dma_start3A_97, %dma_start3A_98] : memref<10240x64xf32, #tpu.memory_space<vmem_shared>> -> memref<10240x64xf32, #tpu.memory_space<vmem_shared>>
      tpu.enqueue_indirect_dma source(%dma_start3A_99 : memref<10240x64xf32, #tpu.memory_space<vmem_shared>>) target(%arg9 : memref<128x64xf32, #tpu.memory_space<vmem>>) offsets(%dma_start3A_96 : memref<128xi32, #tpu.memory_space<vmem>>) semaphore(%arg14 : memref<!tpu.dma_semaphore, #tpu.memory_space<semaphore_mem>>)
      %add3A_100 = arith.constant 2 : i32
      %add3A_101 = arith.addi %mul3A_67, %add3A_100 : i32
      %dma_wait3A_102 = arith.constant 0 : i32
      %dma_wait3A_103 = tpu.memref_slice %arg6[%add3A_101, %dma_wait3A_102] : memref<81x128xi32, #tpu.memory_space<vmem>> -> memref<1x128xi32, #tpu.memory_space<vmem>>
      %dma_wait3A_104 = tpu.memref_squeeze %dma_wait3A_103 : memref<1x128xi32, #tpu.memory_space<vmem>> -> memref<128xi32, #tpu.memory_space<vmem>>
      %dma_wait3A_105 = arith.constant 0 : i32
      %dma_wait3A_106 = arith.constant 0 : i32
      %dma_wait3A_107 = tpu.memref_slice %arg11[%dma_wait3A_105, %dma_wait3A_106] : memref<10240x64xf32, #tpu.memory_space<vmem_shared>> -> memref<10240x64xf32, #tpu.memory_space<vmem_shared>>
      tpu.wait_indirect_dma semaphore(%arg15 : memref<!tpu.dma_semaphore, #tpu.memory_space<semaphore_mem>>) src(%dma_wait3A_107 : memref<10240x64xf32, #tpu.memory_space<vmem_shared>>) dst(%arg10 : memref<128x64xf32, #tpu.memory_space<vmem>>)
      %add3A_108 = arith.constant 2 : i32
      %add3A_109 = arith.addi %mul3A_67, %add3A_108 : i32
      "tpu.region"() ({
        %run_scoped3A_118 = tpu.sem_alloc : memref<!tpu.dma_semaphore, #tpu.memory_space<semaphore_mem>>
        %dma_start3A_119 = arith.constant 0 : i32
        %dma_start3A_120 = tpu.memref_slice %arg7[%add3A_109, %dma_start3A_119] : memref<81x128xi32, #tpu.memory_space<vmem>> -> memref<1x128xi32, #tpu.memory_space<vmem>>
        %dma_start3A_121 = tpu.memref_squeeze %dma_start3A_120 : memref<1x128xi32, #tpu.memory_space<vmem>> -> memref<128xi32, #tpu.memory_space<vmem>>
        %dma_start3A_122 = arith.constant 0 : i32
        %dma_start3A_123 = arith.constant 0 : i32
        %dma_start3A_124 = tpu.memref_slice %arg12[%dma_start3A_122, %dma_start3A_123] : memref<10240x64xf32, #tpu.memory_space<vmem_shared>> -> memref<10240x64xf32, #tpu.memory_space<vmem_shared>>
        tpu.enqueue_indirect_dma source(%arg10 : memref<128x64xf32, #tpu.memory_space<vmem>>) target(%dma_start3A_124 : memref<10240x64xf32, #tpu.memory_space<vmem_shared>>) offsets(%dma_start3A_121 : memref<128xi32, #tpu.memory_space<vmem>>) semaphore(%run_scoped3A_118 : memref<!tpu.dma_semaphore, #tpu.memory_space<semaphore_mem>>) {add = true}
        %dma_wait3A_125 = arith.constant 0 : i32
        %dma_wait3A_126 = tpu.memref_slice %arg7[%add3A_109, %dma_wait3A_125] : memref<81x128xi32, #tpu.memory_space<vmem>> -> memref<1x128xi32, #tpu.memory_space<vmem>>
        %dma_wait3A_127 = tpu.memref_squeeze %dma_wait3A_126 : memref<1x128xi32, #tpu.memory_space<vmem>> -> memref<128xi32, #tpu.memory_space<vmem>>
        %dma_wait3A_128 = arith.constant 0 : i32
        %dma_wait3A_129 = arith.constant 0 : i32
        %dma_wait3A_130 = tpu.memref_slice %arg12[%dma_wait3A_128, %dma_wait3A_129] : memref<10240x64xf32, #tpu.memory_space<vmem_shared>> -> memref<10240x64xf32, #tpu.memory_space<vmem_shared>>
        tpu.wait_indirect_dma semaphore(%run_scoped3A_118 : memref<!tpu.dma_semaphore, #tpu.memory_space<semaphore_mem>>) src(%arg10 : memref<128x64xf32, #tpu.memory_space<vmem>>) dst(%dma_wait3A_130 : memref<10240x64xf32, #tpu.memory_space<vmem_shared>>)
        tpu.yield
      }) : () -> ()
      %add3A_110 = arith.constant 5 : i32
      %add3A_111 = arith.addi %mul3A_67, %add3A_110 : i32
      %dma_start3A_112 = arith.constant 0 : i32
      %dma_start3A_113 = tpu.memref_slice %arg6[%add3A_111, %dma_start3A_112] : memref<81x128xi32, #tpu.memory_space<vmem>> -> memref<1x128xi32, #tpu.memory_space<vmem>>
      %dma_start3A_114 = tpu.memref_squeeze %dma_start3A_113 : memref<1x128xi32, #tpu.memory_space<vmem>> -> memref<128xi32, #tpu.memory_space<vmem>>
      %dma_start3A_115 = arith.constant 0 : i32
      %dma_start3A_116 = arith.constant 0 : i32
      %dma_start3A_117 = tpu.memref_slice %arg11[%dma_start3A_115, %dma_start3A_116] : memref<10240x64xf32, #tpu.memory_space<vmem_shared>> -> memref<10240x64xf32, #tpu.memory_space<vmem_shared>>
      tpu.enqueue_indirect_dma source(%dma_start3A_117 : memref<10240x64xf32, #tpu.memory_space<vmem_shared>>) target(%arg10 : memref<128x64xf32, #tpu.memory_space<vmem>>) offsets(%dma_start3A_114 : memref<128xi32, #tpu.memory_space<vmem>>) semaphore(%arg15 : memref<!tpu.dma_semaphore, #tpu.memory_space<semaphore_mem>>)
    }
    %scan3A_37 = arith.constant 26 : i32
    %dma_wait3A = arith.constant 78 : i32
    %dma_wait3A_38 = arith.constant 0 : i32
    %dma_wait3A_39 = tpu.memref_slice %arg6[%dma_wait3A, %dma_wait3A_38] : memref<81x128xi32, #tpu.memory_space<vmem>> -> memref<1x128xi32, #tpu.memory_space<vmem>>
    %dma_wait3A_40 = tpu.memref_squeeze %dma_wait3A_39 : memref<1x128xi32, #tpu.memory_space<vmem>> -> memref<128xi32, #tpu.memory_space<vmem>>
    %dma_wait3A_41 = arith.constant 0 : i32
    %dma_wait3A_42 = arith.constant 0 : i32
    %dma_wait3A_43 = tpu.memref_slice %arg11[%dma_wait3A_41, %dma_wait3A_42] : memref<10240x64xf32, #tpu.memory_space<vmem_shared>> -> memref<10240x64xf32, #tpu.memory_space<vmem_shared>>
    tpu.wait_indirect_dma semaphore(%arg13 : memref<!tpu.dma_semaphore, #tpu.memory_space<semaphore_mem>>) src(%dma_wait3A_43 : memref<10240x64xf32, #tpu.memory_space<vmem_shared>>) dst(%arg8 : memref<128x64xf32, #tpu.memory_space<vmem>>)
    %run_scoped3A = arith.constant 78 : i32
    "tpu.region"() ({
      %run_scoped3A_65 = tpu.sem_alloc : memref<!tpu.dma_semaphore, #tpu.memory_space<semaphore_mem>>
      %dma_start3A_66 = arith.constant 0 : i32
      %dma_start3A_67 = tpu.memref_slice %arg7[%run_scoped3A, %dma_start3A_66] : memref<81x128xi32, #tpu.memory_space<vmem>> -> memref<1x128xi32, #tpu.memory_space<vmem>>
      %dma_start3A_68 = tpu.memref_squeeze %dma_start3A_67 : memref<1x128xi32, #tpu.memory_space<vmem>> -> memref<128xi32, #tpu.memory_space<vmem>>
      %dma_start3A_69 = arith.constant 0 : i32
      %dma_start3A_70 = arith.constant 0 : i32
      %dma_start3A_71 = tpu.memref_slice %arg12[%dma_start3A_69, %dma_start3A_70] : memref<10240x64xf32, #tpu.memory_space<vmem_shared>> -> memref<10240x64xf32, #tpu.memory_space<vmem_shared>>
      tpu.enqueue_indirect_dma source(%arg8 : memref<128x64xf32, #tpu.memory_space<vmem>>) target(%dma_start3A_71 : memref<10240x64xf32, #tpu.memory_space<vmem_shared>>) offsets(%dma_start3A_68 : memref<128xi32, #tpu.memory_space<vmem>>) semaphore(%run_scoped3A_65 : memref<!tpu.dma_semaphore, #tpu.memory_space<semaphore_mem>>) {add = true}
      %dma_wait3A_72 = arith.constant 0 : i32
      %dma_wait3A_73 = tpu.memref_slice %arg7[%run_scoped3A, %dma_wait3A_72] : memref<81x128xi32, #tpu.memory_space<vmem>> -> memref<1x128xi32, #tpu.memory_space<vmem>>
      %dma_wait3A_74 = tpu.memref_squeeze %dma_wait3A_73 : memref<1x128xi32, #tpu.memory_space<vmem>> -> memref<128xi32, #tpu.memory_space<vmem>>
      %dma_wait3A_75 = arith.constant 0 : i32
      %dma_wait3A_76 = arith.constant 0 : i32
      %dma_wait3A_77 = tpu.memref_slice %arg12[%dma_wait3A_75, %dma_wait3A_76] : memref<10240x64xf32, #tpu.memory_space<vmem_shared>> -> memref<10240x64xf32, #tpu.memory_space<vmem_shared>>
      tpu.wait_indirect_dma semaphore(%run_scoped3A_65 : memref<!tpu.dma_semaphore, #tpu.memory_space<semaphore_mem>>) src(%arg8 : memref<128x64xf32, #tpu.memory_space<vmem>>) dst(%dma_wait3A_77 : memref<10240x64xf32, #tpu.memory_space<vmem_shared>>)
      tpu.yield
    }) : () -> ()
    %dma_wait3A_44 = arith.constant 79 : i32
    %dma_wait3A_45 = arith.constant 0 : i32
    %dma_wait3A_46 = tpu.memref_slice %arg6[%dma_wait3A_44, %dma_wait3A_45] : memref<81x128xi32, #tpu.memory_space<vmem>> -> memref<1x128xi32, #tpu.memory_space<vmem>>
    %dma_wait3A_47 = tpu.memref_squeeze %dma_wait3A_46 : memref<1x128xi32, #tpu.memory_space<vmem>> -> memref<128xi32, #tpu.memory_space<vmem>>
    %dma_wait3A_48 = arith.constant 0 : i32
    %dma_wait3A_49 = arith.constant 0 : i32
    %dma_wait3A_50 = tpu.memref_slice %arg11[%dma_wait3A_48, %dma_wait3A_49] : memref<10240x64xf32, #tpu.memory_space<vmem_shared>> -> memref<10240x64xf32, #tpu.memory_space<vmem_shared>>
    tpu.wait_indirect_dma semaphore(%arg14 : memref<!tpu.dma_semaphore, #tpu.memory_space<semaphore_mem>>) src(%dma_wait3A_50 : memref<10240x64xf32, #tpu.memory_space<vmem_shared>>) dst(%arg9 : memref<128x64xf32, #tpu.memory_space<vmem>>)
    %run_scoped3A_51 = arith.constant 79 : i32
    "tpu.region"() ({
      %run_scoped3A_65 = tpu.sem_alloc : memref<!tpu.dma_semaphore, #tpu.memory_space<semaphore_mem>>
      %dma_start3A_66 = arith.constant 0 : i32
      %dma_start3A_67 = tpu.memref_slice %arg7[%run_scoped3A_51, %dma_start3A_66] : memref<81x128xi32, #tpu.memory_space<vmem>> -> memref<1x128xi32, #tpu.memory_space<vmem>>
      %dma_start3A_68 = tpu.memref_squeeze %dma_start3A_67 : memref<1x128xi32, #tpu.memory_space<vmem>> -> memref<128xi32, #tpu.memory_space<vmem>>
      %dma_start3A_69 = arith.constant 0 : i32
      %dma_start3A_70 = arith.constant 0 : i32
      %dma_start3A_71 = tpu.memref_slice %arg12[%dma_start3A_69, %dma_start3A_70] : memref<10240x64xf32, #tpu.memory_space<vmem_shared>> -> memref<10240x64xf32, #tpu.memory_space<vmem_shared>>
      tpu.enqueue_indirect_dma source(%arg9 : memref<128x64xf32, #tpu.memory_space<vmem>>) target(%dma_start3A_71 : memref<10240x64xf32, #tpu.memory_space<vmem_shared>>) offsets(%dma_start3A_68 : memref<128xi32, #tpu.memory_space<vmem>>) semaphore(%run_scoped3A_65 : memref<!tpu.dma_semaphore, #tpu.memory_space<semaphore_mem>>) {add = true}
      %dma_wait3A_72 = arith.constant 0 : i32
      %dma_wait3A_73 = tpu.memref_slice %arg7[%run_scoped3A_51, %dma_wait3A_72] : memref<81x128xi32, #tpu.memory_space<vmem>> -> memref<1x128xi32, #tpu.memory_space<vmem>>
      %dma_wait3A_74 = tpu.memref_squeeze %dma_wait3A_73 : memref<1x128xi32, #tpu.memory_space<vmem>> -> memref<128xi32, #tpu.memory_space<vmem>>
      %dma_wait3A_75 = arith.constant 0 : i32
      %dma_wait3A_76 = arith.constant 0 : i32
      %dma_wait3A_77 = tpu.memref_slice %arg12[%dma_wait3A_75, %dma_wait3A_76] : memref<10240x64xf32, #tpu.memory_space<vmem_shared>> -> memref<10240x64xf32, #tpu.memory_space<vmem_shared>>
      tpu.wait_indirect_dma semaphore(%run_scoped3A_65 : memref<!tpu.dma_semaphore, #tpu.memory_space<semaphore_mem>>) src(%arg9 : memref<128x64xf32, #tpu.memory_space<vmem>>) dst(%dma_wait3A_77 : memref<10240x64xf32, #tpu.memory_space<vmem_shared>>)
      tpu.yield
    }) : () -> ()
    %dma_wait3A_52 = arith.constant 80 : i32
    %dma_wait3A_53 = arith.constant 0 : i32
    %dma_wait3A_54 = tpu.memref_slice %arg6[%dma_wait3A_52, %dma_wait3A_53] : memref<81x128xi32, #tpu.memory_space<vmem>> -> memref<1x128xi32, #tpu.memory_space<vmem>>
    %dma_wait3A_55 = tpu.memref_squeeze %dma_wait3A_54 : memref<1x128xi32, #tpu.memory_space<vmem>> -> memref<128xi32, #tpu.memory_space<vmem>>
    %dma_wait3A_56 = arith.constant 0 : i32
    %dma_wait3A_57 = arith.constant 0 : i32
    %dma_wait3A_58 = tpu.memref_slice %arg11[%dma_wait3A_56, %dma_wait3A_57] : memref<10240x64xf32, #tpu.memory_space<vmem_shared>> -> memref<10240x64xf32, #tpu.memory_space<vmem_shared>>
    tpu.wait_indirect_dma semaphore(%arg15 : memref<!tpu.dma_semaphore, #tpu.memory_space<semaphore_mem>>) src(%dma_wait3A_58 : memref<10240x64xf32, #tpu.memory_space<vmem_shared>>) dst(%arg10 : memref<128x64xf32, #tpu.memory_space<vmem>>)
    %run_scoped3A_59 = arith.constant 80 : i32
    "tpu.region"() ({
      %run_scoped3A_65 = tpu.sem_alloc : memref<!tpu.dma_semaphore, #tpu.memory_space<semaphore_mem>>
      %dma_start3A_66 = arith.constant 0 : i32
      %dma_start3A_67 = tpu.memref_slice %arg7[%run_scoped3A_59, %dma_start3A_66] : memref<81x128xi32, #tpu.memory_space<vmem>> -> memref<1x128xi32, #tpu.memory_space<vmem>>
      %dma_start3A_68 = tpu.memref_squeeze %dma_start3A_67 : memref<1x128xi32, #tpu.memory_space<vmem>> -> memref<128xi32, #tpu.memory_space<vmem>>
      %dma_start3A_69 = arith.constant 0 : i32
      %dma_start3A_70 = arith.constant 0 : i32
      %dma_start3A_71 = tpu.memref_slice %arg12[%dma_start3A_69, %dma_start3A_70] : memref<10240x64xf32, #tpu.memory_space<vmem_shared>> -> memref<10240x64xf32, #tpu.memory_space<vmem_shared>>
      tpu.enqueue_indirect_dma source(%arg10 : memref<128x64xf32, #tpu.memory_space<vmem>>) target(%dma_start3A_71 : memref<10240x64xf32, #tpu.memory_space<vmem_shared>>) offsets(%dma_start3A_68 : memref<128xi32, #tpu.memory_space<vmem>>) semaphore(%run_scoped3A_65 : memref<!tpu.dma_semaphore, #tpu.memory_space<semaphore_mem>>) {add = true}
      %dma_wait3A_72 = arith.constant 0 : i32
      %dma_wait3A_73 = tpu.memref_slice %arg7[%run_scoped3A_59, %dma_wait3A_72] : memref<81x128xi32, #tpu.memory_space<vmem>> -> memref<1x128xi32, #tpu.memory_space<vmem>>
      %dma_wait3A_74 = tpu.memref_squeeze %dma_wait3A_73 : memref<1x128xi32, #tpu.memory_space<vmem>> -> memref<128xi32, #tpu.memory_space<vmem>>
      %dma_wait3A_75 = arith.constant 0 : i32
      %dma_wait3A_76 = arith.constant 0 : i32
      %dma_wait3A_77 = tpu.memref_slice %arg12[%dma_wait3A_75, %dma_wait3A_76] : memref<10240x64xf32, #tpu.memory_space<vmem_shared>> -> memref<10240x64xf32, #tpu.memory_space<vmem_shared>>
      tpu.wait_indirect_dma semaphore(%run_scoped3A_65 : memref<!tpu.dma_semaphore, #tpu.memory_space<semaphore_mem>>) src(%arg10 : memref<128x64xf32, #tpu.memory_space<vmem>>) dst(%dma_wait3A_77 : memref<10240x64xf32, #tpu.memory_space<vmem_shared>>)
      tpu.yield
    }) : () -> ()
    %barrier3A_60 = arith.constant 0 : index
    tpu.barrier barrier_id(%barrier3A_60)
    %mul3A_61 = arith.constant 640 : i32
    %mul3A_62 = arith.muli %arg1, %mul3A_61 : i32
    %mul3A_63 = arith.constant 640 : i32
    %mul3A_64 = arith.muli %arg1, %mul3A_63 : i32
    "tpu.region"() ({
      %run_scoped3A_65 = tpu.sem_alloc : memref<!tpu.dma_semaphore, #tpu.memory_space<semaphore_mem>>
      %dma_start3A_66 = arith.constant 0 : i32
      %dma_start3A_67 = arith.constant 0 : i32
      %dma_start3A_68 = tpu.memref_slice %arg5[%arg0, %dma_start3A_66, %dma_start3A_67] : memref<2x10240x64xf32, #tpu.memory_space<hbm>> -> memref<1x10240x64xf32, #tpu.memory_space<hbm>>
      %dma_start3A_69 = tpu.memref_squeeze %dma_start3A_68 : memref<1x10240x64xf32, #tpu.memory_space<hbm>> -> memref<10240x64xf32, #tpu.memory_space<hbm>>
      %dma_start3A_70 = arith.constant 0 : i32
      %dma_start3A_71 = tpu.memref_slice %dma_start3A_69[%mul3A_64, %dma_start3A_70] : memref<10240x64xf32, #tpu.memory_space<hbm>> -> memref<640x64xf32, #tpu.memory_space<hbm>>
      %dma_start3A_72 = arith.constant 0 : i32
      %dma_start3A_73 = tpu.memref_slice %arg12[%mul3A_62, %dma_start3A_72] : memref<10240x64xf32, #tpu.memory_space<vmem_shared>> -> memref<640x64xf32, #tpu.memory_space<vmem_shared>>
      tpu.enqueue_dma source(%dma_start3A_73 : memref<640x64xf32, #tpu.memory_space<vmem_shared>>) target(%dma_start3A_71 : memref<640x64xf32, #tpu.memory_space<hbm>>) target_semaphore(%run_scoped3A_65 : memref<!tpu.dma_semaphore, #tpu.memory_space<semaphore_mem>>)
      %dma_wait3A_74 = arith.constant 0 : i32
      %dma_wait3A_75 = arith.constant 0 : i32
      %dma_wait3A_76 = tpu.memref_slice %arg5[%arg0, %dma_wait3A_74, %dma_wait3A_75] : memref<2x10240x64xf32, #tpu.memory_space<hbm>> -> memref<1x10240x64xf32, #tpu.memory_space<hbm>>
      %dma_wait3A_77 = tpu.memref_squeeze %dma_wait3A_76 : memref<1x10240x64xf32, #tpu.memory_space<hbm>> -> memref<10240x64xf32, #tpu.memory_space<hbm>>
      %dma_wait3A_78 = arith.constant 0 : i32
      %dma_wait3A_79 = tpu.memref_slice %dma_wait3A_77[%mul3A_64, %dma_wait3A_78] : memref<10240x64xf32, #tpu.memory_space<hbm>> -> memref<640x64xf32, #tpu.memory_space<hbm>>
      %dma_wait3A_80 = arith.constant 0 : i32
      %dma_wait3A_81 = tpu.memref_slice %arg12[%mul3A_62, %dma_wait3A_80] : memref<10240x64xf32, #tpu.memory_space<vmem_shared>> -> memref<640x64xf32, #tpu.memory_space<vmem_shared>>
      tpu.wait_dma2 semaphore(%run_scoped3A_65 : memref<!tpu.dma_semaphore, #tpu.memory_space<semaphore_mem>>) src(%dma_wait3A_81 : memref<640x64xf32, #tpu.memory_space<vmem_shared>>) dst(%dma_wait3A_79 : memref<640x64xf32, #tpu.memory_space<hbm>>)
      tpu.yield
    }) : () -> ()
    return
  }
}

#map = affine_map<(d0, d1) -> (0, 0)>
#map1 = affine_map<(d0, d1) -> (0, 0, 0)>
module attributes {stable_mosaic.version = 14 : i64} {
  func.func @deg_kernel(%arg0: i32, %arg1: i32, %arg2: memref<2592x128xi32, #tpu.memory_space<hbm>>, %arg3: memref<10240x16xf32, #tpu.memory_space<hbm>>, %arg4: memref<128x16xf32, #tpu.memory_space<hbm>>, %arg5: memref<2x10240x16xf32, #tpu.memory_space<hbm>>, %arg6: memref<81x128xi32, #tpu.memory_space<vmem>>, %arg7: memref<128x16xf32, #tpu.memory_space<vmem>>, %arg8: memref<10240x16xf32, #tpu.memory_space<vmem_shared>>) attributes {dimension_semantics = [#tpu.dimension_semantics<core_parallel>, #tpu.dimension_semantics<subcore_parallel>], iteration_bounds = array<i64: 2, 16>, scalar_prefetch = 0 : i64, scratch_operands = 3 : i64, tpu.core_type = #tpu.core_type<sc_vector_subcore>, window_params = [{transform_indices = #map}, {transform_indices = #map}, {transform_indices = #map}, {transform_indices = #map1}]} {
    %mul3A = arith.constant 16 : i32
    %mul3A_0 = arith.muli %arg0, %mul3A : i32
    %add3A = arith.addi %mul3A_0, %arg1 : i32
    %mul3A_1 = arith.constant 81 : i32
    %mul3A_2 = arith.muli %add3A, %mul3A_1 : i32
    "tpu.region"() ({
      %run_scoped3A = tpu.sem_alloc : memref<!tpu.dma_semaphore, #tpu.memory_space<semaphore_mem>>
      %dma_start3A = arith.constant 0 : i32
      %dma_start3A_17 = tpu.memref_slice %arg2[%mul3A_2, %dma_start3A] : memref<2592x128xi32, #tpu.memory_space<hbm>> -> memref<81x128xi32, #tpu.memory_space<hbm>>
      %dma_start3A_18 = arith.constant 0 : i32
      %dma_start3A_19 = tpu.memref_slice %arg2[%mul3A_2, %dma_start3A_18] : memref<2592x128xi32, #tpu.memory_space<hbm>> -> memref<81x128xi32, #tpu.memory_space<hbm>>
      tpu.enqueue_dma source(%dma_start3A_19 : memref<81x128xi32, #tpu.memory_space<hbm>>) target(%arg6 : memref<81x128xi32, #tpu.memory_space<vmem>>) target_semaphore(%run_scoped3A : memref<!tpu.dma_semaphore, #tpu.memory_space<semaphore_mem>>)
      %dma_wait3A = arith.constant 0 : i32
      %dma_wait3A_20 = tpu.memref_slice %arg2[%mul3A_2, %dma_wait3A] : memref<2592x128xi32, #tpu.memory_space<hbm>> -> memref<81x128xi32, #tpu.memory_space<hbm>>
      %dma_wait3A_21 = arith.constant 0 : i32
      %dma_wait3A_22 = tpu.memref_slice %arg2[%mul3A_2, %dma_wait3A_21] : memref<2592x128xi32, #tpu.memory_space<hbm>> -> memref<81x128xi32, #tpu.memory_space<hbm>>
      tpu.wait_dma2 semaphore(%run_scoped3A : memref<!tpu.dma_semaphore, #tpu.memory_space<semaphore_mem>>) src(%dma_wait3A_22 : memref<81x128xi32, #tpu.memory_space<hbm>>) dst(%arg6 : memref<81x128xi32, #tpu.memory_space<vmem>>)
      tpu.yield
    }) : () -> ()
    "tpu.region"() ({
      %run_scoped3A = tpu.sem_alloc : memref<!tpu.dma_semaphore, #tpu.memory_space<semaphore_mem>>
      tpu.enqueue_dma source(%arg4 : memref<128x16xf32, #tpu.memory_space<hbm>>) target(%arg7 : memref<128x16xf32, #tpu.memory_space<vmem>>) target_semaphore(%run_scoped3A : memref<!tpu.dma_semaphore, #tpu.memory_space<semaphore_mem>>)
      tpu.wait_dma2 semaphore(%run_scoped3A : memref<!tpu.dma_semaphore, #tpu.memory_space<semaphore_mem>>) src(%arg4 : memref<128x16xf32, #tpu.memory_space<hbm>>) dst(%arg7 : memref<128x16xf32, #tpu.memory_space<vmem>>)
      tpu.yield
    }) : () -> ()
    %mul3A_3 = arith.constant 640 : i32
    %mul3A_4 = arith.muli %arg1, %mul3A_3 : i32
    %mul3A_5 = arith.constant 640 : i32
    %mul3A_6 = arith.muli %arg1, %mul3A_5 : i32
    "tpu.region"() ({
      %run_scoped3A = tpu.sem_alloc : memref<!tpu.dma_semaphore, #tpu.memory_space<semaphore_mem>>
      %dma_start3A = arith.constant 0 : i32
      %dma_start3A_17 = tpu.memref_slice %arg8[%mul3A_6, %dma_start3A] : memref<10240x16xf32, #tpu.memory_space<vmem_shared>> -> memref<640x16xf32, #tpu.memory_space<vmem_shared>>
      %dma_start3A_18 = arith.constant 0 : i32
      %dma_start3A_19 = tpu.memref_slice %arg3[%mul3A_4, %dma_start3A_18] : memref<10240x16xf32, #tpu.memory_space<hbm>> -> memref<640x16xf32, #tpu.memory_space<hbm>>
      tpu.enqueue_dma source(%dma_start3A_19 : memref<640x16xf32, #tpu.memory_space<hbm>>) target(%dma_start3A_17 : memref<640x16xf32, #tpu.memory_space<vmem_shared>>) target_semaphore(%run_scoped3A : memref<!tpu.dma_semaphore, #tpu.memory_space<semaphore_mem>>)
      %dma_wait3A = arith.constant 0 : i32
      %dma_wait3A_20 = tpu.memref_slice %arg8[%mul3A_6, %dma_wait3A] : memref<10240x16xf32, #tpu.memory_space<vmem_shared>> -> memref<640x16xf32, #tpu.memory_space<vmem_shared>>
      %dma_wait3A_21 = arith.constant 0 : i32
      %dma_wait3A_22 = tpu.memref_slice %arg3[%mul3A_4, %dma_wait3A_21] : memref<10240x16xf32, #tpu.memory_space<hbm>> -> memref<640x16xf32, #tpu.memory_space<hbm>>
      tpu.wait_dma2 semaphore(%run_scoped3A : memref<!tpu.dma_semaphore, #tpu.memory_space<semaphore_mem>>) src(%dma_wait3A_22 : memref<640x16xf32, #tpu.memory_space<hbm>>) dst(%dma_wait3A_20 : memref<640x16xf32, #tpu.memory_space<vmem_shared>>)
      tpu.yield
    }) : () -> ()
    %barrier3A = arith.constant 0 : index
    tpu.barrier barrier_id(%barrier3A)
    %scan3A = arith.constant 0 : i32
    %scan3A_7 = arith.constant 0 : i32
    %scan3A_8 = arith.constant 81 : i32
    %scan3A_9 = arith.addi %scan3A_7, %scan3A_8 : i32
    %scan3A_10 = arith.constant 1 : i32
    scf.for %scan3A_17 = %scan3A_7 to %scan3A_9 step %scan3A_10  : i32 {
      "tpu.region"() ({
        %run_scoped3A = tpu.sem_alloc : memref<!tpu.dma_semaphore, #tpu.memory_space<semaphore_mem>>
        %dma_start3A = arith.constant 0 : i32
        %dma_start3A_18 = tpu.memref_slice %arg6[%scan3A_17, %dma_start3A] : memref<81x128xi32, #tpu.memory_space<vmem>> -> memref<1x128xi32, #tpu.memory_space<vmem>>
        %dma_start3A_19 = tpu.memref_squeeze %dma_start3A_18 : memref<1x128xi32, #tpu.memory_space<vmem>> -> memref<128xi32, #tpu.memory_space<vmem>>
        %dma_start3A_20 = arith.constant 0 : i32
        %dma_start3A_21 = arith.constant 0 : i32
        %dma_start3A_22 = tpu.memref_slice %arg8[%dma_start3A_20, %dma_start3A_21] : memref<10240x16xf32, #tpu.memory_space<vmem_shared>> -> memref<10240x16xf32, #tpu.memory_space<vmem_shared>>
        tpu.enqueue_indirect_dma source(%arg7 : memref<128x16xf32, #tpu.memory_space<vmem>>) target(%dma_start3A_22 : memref<10240x16xf32, #tpu.memory_space<vmem_shared>>) offsets(%dma_start3A_19 : memref<128xi32, #tpu.memory_space<vmem>>) semaphore(%run_scoped3A : memref<!tpu.dma_semaphore, #tpu.memory_space<semaphore_mem>>) {add = true}
        %dma_wait3A = arith.constant 0 : i32
        %dma_wait3A_23 = tpu.memref_slice %arg6[%scan3A_17, %dma_wait3A] : memref<81x128xi32, #tpu.memory_space<vmem>> -> memref<1x128xi32, #tpu.memory_space<vmem>>
        %dma_wait3A_24 = tpu.memref_squeeze %dma_wait3A_23 : memref<1x128xi32, #tpu.memory_space<vmem>> -> memref<128xi32, #tpu.memory_space<vmem>>
        %dma_wait3A_25 = arith.constant 0 : i32
        %dma_wait3A_26 = arith.constant 0 : i32
        %dma_wait3A_27 = tpu.memref_slice %arg8[%dma_wait3A_25, %dma_wait3A_26] : memref<10240x16xf32, #tpu.memory_space<vmem_shared>> -> memref<10240x16xf32, #tpu.memory_space<vmem_shared>>
        tpu.wait_indirect_dma semaphore(%run_scoped3A : memref<!tpu.dma_semaphore, #tpu.memory_space<semaphore_mem>>) src(%arg7 : memref<128x16xf32, #tpu.memory_space<vmem>>) dst(%dma_wait3A_27 : memref<10240x16xf32, #tpu.memory_space<vmem_shared>>)
        tpu.yield
      }) : () -> ()
    }
    %scan3A_11 = arith.constant 81 : i32
    %barrier3A_12 = arith.constant 0 : index
    tpu.barrier barrier_id(%barrier3A_12)
    %mul3A_13 = arith.constant 640 : i32
    %mul3A_14 = arith.muli %arg1, %mul3A_13 : i32
    %mul3A_15 = arith.constant 640 : i32
    %mul3A_16 = arith.muli %arg1, %mul3A_15 : i32
    "tpu.region"() ({
      %run_scoped3A = tpu.sem_alloc : memref<!tpu.dma_semaphore, #tpu.memory_space<semaphore_mem>>
      %dma_start3A = arith.constant 0 : i32
      %dma_start3A_17 = arith.constant 0 : i32
      %dma_start3A_18 = tpu.memref_slice %arg5[%arg0, %dma_start3A, %dma_start3A_17] : memref<2x10240x16xf32, #tpu.memory_space<hbm>> -> memref<1x10240x16xf32, #tpu.memory_space<hbm>>
      %dma_start3A_19 = tpu.memref_squeeze %dma_start3A_18 : memref<1x10240x16xf32, #tpu.memory_space<hbm>> -> memref<10240x16xf32, #tpu.memory_space<hbm>>
      %dma_start3A_20 = arith.constant 0 : i32
      %dma_start3A_21 = tpu.memref_slice %dma_start3A_19[%mul3A_16, %dma_start3A_20] : memref<10240x16xf32, #tpu.memory_space<hbm>> -> memref<640x16xf32, #tpu.memory_space<hbm>>
      %dma_start3A_22 = arith.constant 0 : i32
      %dma_start3A_23 = tpu.memref_slice %arg8[%mul3A_14, %dma_start3A_22] : memref<10240x16xf32, #tpu.memory_space<vmem_shared>> -> memref<640x16xf32, #tpu.memory_space<vmem_shared>>
      tpu.enqueue_dma source(%dma_start3A_23 : memref<640x16xf32, #tpu.memory_space<vmem_shared>>) target(%dma_start3A_21 : memref<640x16xf32, #tpu.memory_space<hbm>>) target_semaphore(%run_scoped3A : memref<!tpu.dma_semaphore, #tpu.memory_space<semaphore_mem>>)
      %dma_wait3A = arith.constant 0 : i32
      %dma_wait3A_24 = arith.constant 0 : i32
      %dma_wait3A_25 = tpu.memref_slice %arg5[%arg0, %dma_wait3A, %dma_wait3A_24] : memref<2x10240x16xf32, #tpu.memory_space<hbm>> -> memref<1x10240x16xf32, #tpu.memory_space<hbm>>
      %dma_wait3A_26 = tpu.memref_squeeze %dma_wait3A_25 : memref<1x10240x16xf32, #tpu.memory_space<hbm>> -> memref<10240x16xf32, #tpu.memory_space<hbm>>
      %dma_wait3A_27 = arith.constant 0 : i32
      %dma_wait3A_28 = tpu.memref_slice %dma_wait3A_26[%mul3A_16, %dma_wait3A_27] : memref<10240x16xf32, #tpu.memory_space<hbm>> -> memref<640x16xf32, #tpu.memory_space<hbm>>
      %dma_wait3A_29 = arith.constant 0 : i32
      %dma_wait3A_30 = tpu.memref_slice %arg8[%mul3A_14, %dma_wait3A_29] : memref<10240x16xf32, #tpu.memory_space<vmem_shared>> -> memref<640x16xf32, #tpu.memory_space<vmem_shared>>
      tpu.wait_dma2 semaphore(%run_scoped3A : memref<!tpu.dma_semaphore, #tpu.memory_space<semaphore_mem>>) src(%dma_wait3A_30 : memref<640x16xf32, #tpu.memory_space<vmem_shared>>) dst(%dma_wait3A_28 : memref<640x16xf32, #tpu.memory_space<hbm>>)
      tpu.yield
    }) : () -> ()
    return
  }
}

#map = affine_map<(d0, d1) -> (0, 0)>
#map1 = affine_map<(d0, d1) -> (0, 0, 0)>
module attributes {stable_mosaic.version = 14 : i64} {
  func.func @agg_kernel(%arg0: i32, %arg1: i32, %arg2: memref<10240x64xf32, #tpu.memory_space<hbm>>, %arg3: memref<2592x128xi32, #tpu.memory_space<hbm>>, %arg4: memref<2592x128xi32, #tpu.memory_space<hbm>>, %arg5: memref<2x10240x64xf32, #tpu.memory_space<hbm>>, %arg6: memref<81x128xi32, #tpu.memory_space<vmem>>, %arg7: memref<81x128xi32, #tpu.memory_space<vmem>>, %arg8: memref<128x64xf32, #tpu.memory_space<vmem>>, %arg9: memref<128x64xf32, #tpu.memory_space<vmem>>, %arg10: memref<128x64xf32, #tpu.memory_space<vmem>>, %arg11: memref<10240x64xf32, #tpu.memory_space<vmem_shared>>, %arg12: memref<10240x64xf32, #tpu.memory_space<vmem_shared>>, %arg13: memref<!tpu.dma_semaphore, #tpu.memory_space<semaphore_mem>>, %arg14: memref<!tpu.dma_semaphore, #tpu.memory_space<semaphore_mem>>, %arg15: memref<!tpu.dma_semaphore, #tpu.memory_space<semaphore_mem>>) attributes {dimension_semantics = [#tpu.dimension_semantics<core_parallel>, #tpu.dimension_semantics<subcore_parallel>], iteration_bounds = array<i64: 2, 16>, scalar_prefetch = 0 : i64, scratch_operands = 10 : i64, tpu.core_type = #tpu.core_type<sc_vector_subcore>, window_params = [{transform_indices = #map}, {transform_indices = #map}, {transform_indices = #map}, {transform_indices = #map1}]} {
    %mul3A = arith.constant 16 : i32
    %mul3A_0 = arith.muli %arg0, %mul3A : i32
    %add3A = arith.addi %mul3A_0, %arg1 : i32
    %mul3A_1 = arith.constant 81 : i32
    %mul3A_2 = arith.muli %add3A, %mul3A_1 : i32
    "tpu.region"() ({
      %run_scoped3A_65 = tpu.sem_alloc : memref<!tpu.dma_semaphore, #tpu.memory_space<semaphore_mem>>
      %dma_start3A_66 = arith.constant 0 : i32
      %dma_start3A_67 = tpu.memref_slice %arg3[%mul3A_2, %dma_start3A_66] : memref<2592x128xi32, #tpu.memory_space<hbm>> -> memref<81x128xi32, #tpu.memory_space<hbm>>
      %dma_start3A_68 = arith.constant 0 : i32
      %dma_start3A_69 = tpu.memref_slice %arg3[%mul3A_2, %dma_start3A_68] : memref<2592x128xi32, #tpu.memory_space<hbm>> -> memref<81x128xi32, #tpu.memory_space<hbm>>
      tpu.enqueue_dma source(%dma_start3A_69 : memref<81x128xi32, #tpu.memory_space<hbm>>) target(%arg6 : memref<81x128xi32, #tpu.memory_space<vmem>>) target_semaphore(%run_scoped3A_65 : memref<!tpu.dma_semaphore, #tpu.memory_space<semaphore_mem>>)
      %dma_wait3A_70 = arith.constant 0 : i32
      %dma_wait3A_71 = tpu.memref_slice %arg3[%mul3A_2, %dma_wait3A_70] : memref<2592x128xi32, #tpu.memory_space<hbm>> -> memref<81x128xi32, #tpu.memory_space<hbm>>
      %dma_wait3A_72 = arith.constant 0 : i32
      %dma_wait3A_73 = tpu.memref_slice %arg3[%mul3A_2, %dma_wait3A_72] : memref<2592x128xi32, #tpu.memory_space<hbm>> -> memref<81x128xi32, #tpu.memory_space<hbm>>
      tpu.wait_dma2 semaphore(%run_scoped3A_65 : memref<!tpu.dma_semaphore, #tpu.memory_space<semaphore_mem>>) src(%dma_wait3A_73 : memref<81x128xi32, #tpu.memory_space<hbm>>) dst(%arg6 : memref<81x128xi32, #tpu.memory_space<vmem>>)
      tpu.yield
    }) : () -> ()
    %mul3A_3 = arith.constant 81 : i32
    %mul3A_4 = arith.muli %add3A, %mul3A_3 : i32
    "tpu.region"() ({
      %run_scoped3A_65 = tpu.sem_alloc : memref<!tpu.dma_semaphore, #tpu.memory_space<semaphore_mem>>
      %dma_start3A_66 = arith.constant 0 : i32
      %dma_start3A_67 = tpu.memref_slice %arg4[%mul3A_4, %dma_start3A_66] : memref<2592x128xi32, #tpu.memory_space<hbm>> -> memref<81x128xi32, #tpu.memory_space<hbm>>
      %dma_start3A_68 = arith.constant 0 : i32
      %dma_start3A_69 = tpu.memref_slice %arg4[%mul3A_4, %dma_start3A_68] : memref<2592x128xi32, #tpu.memory_space<hbm>> -> memref<81x128xi32, #tpu.memory_space<hbm>>
      tpu.enqueue_dma source(%dma_start3A_69 : memref<81x128xi32, #tpu.memory_space<hbm>>) target(%arg7 : memref<81x128xi32, #tpu.memory_space<vmem>>) target_semaphore(%run_scoped3A_65 : memref<!tpu.dma_semaphore, #tpu.memory_space<semaphore_mem>>)
      %dma_wait3A_70 = arith.constant 0 : i32
      %dma_wait3A_71 = tpu.memref_slice %arg4[%mul3A_4, %dma_wait3A_70] : memref<2592x128xi32, #tpu.memory_space<hbm>> -> memref<81x128xi32, #tpu.memory_space<hbm>>
      %dma_wait3A_72 = arith.constant 0 : i32
      %dma_wait3A_73 = tpu.memref_slice %arg4[%mul3A_4, %dma_wait3A_72] : memref<2592x128xi32, #tpu.memory_space<hbm>> -> memref<81x128xi32, #tpu.memory_space<hbm>>
      tpu.wait_dma2 semaphore(%run_scoped3A_65 : memref<!tpu.dma_semaphore, #tpu.memory_space<semaphore_mem>>) src(%dma_wait3A_73 : memref<81x128xi32, #tpu.memory_space<hbm>>) dst(%arg7 : memref<81x128xi32, #tpu.memory_space<vmem>>)
      tpu.yield
    }) : () -> ()
    %mul3A_5 = arith.constant 640 : i32
    %mul3A_6 = arith.muli %arg1, %mul3A_5 : i32
    %mul3A_7 = arith.constant 640 : i32
    %mul3A_8 = arith.muli %arg1, %mul3A_7 : i32
    "tpu.region"() ({
      %run_scoped3A_65 = tpu.sem_alloc : memref<!tpu.dma_semaphore, #tpu.memory_space<semaphore_mem>>
      %dma_start3A_66 = arith.constant 0 : i32
      %dma_start3A_67 = tpu.memref_slice %arg11[%mul3A_8, %dma_start3A_66] : memref<10240x64xf32, #tpu.memory_space<vmem_shared>> -> memref<640x64xf32, #tpu.memory_space<vmem_shared>>
      %dma_start3A_68 = arith.constant 0 : i32
      %dma_start3A_69 = tpu.memref_slice %arg2[%mul3A_6, %dma_start3A_68] : memref<10240x64xf32, #tpu.memory_space<hbm>> -> memref<640x64xf32, #tpu.memory_space<hbm>>
      tpu.enqueue_dma source(%dma_start3A_69 : memref<640x64xf32, #tpu.memory_space<hbm>>) target(%dma_start3A_67 : memref<640x64xf32, #tpu.memory_space<vmem_shared>>) target_semaphore(%run_scoped3A_65 : memref<!tpu.dma_semaphore, #tpu.memory_space<semaphore_mem>>)
      %dma_wait3A_70 = arith.constant 0 : i32
      %dma_wait3A_71 = tpu.memref_slice %arg11[%mul3A_8, %dma_wait3A_70] : memref<10240x64xf32, #tpu.memory_space<vmem_shared>> -> memref<640x64xf32, #tpu.memory_space<vmem_shared>>
      %dma_wait3A_72 = arith.constant 0 : i32
      %dma_wait3A_73 = tpu.memref_slice %arg2[%mul3A_6, %dma_wait3A_72] : memref<10240x64xf32, #tpu.memory_space<hbm>> -> memref<640x64xf32, #tpu.memory_space<hbm>>
      tpu.wait_dma2 semaphore(%run_scoped3A_65 : memref<!tpu.dma_semaphore, #tpu.memory_space<semaphore_mem>>) src(%dma_wait3A_73 : memref<640x64xf32, #tpu.memory_space<hbm>>) dst(%dma_wait3A_71 : memref<640x64xf32, #tpu.memory_space<vmem_shared>>)
      tpu.yield
    }) : () -> ()
    %mul3A_9 = arith.constant 640 : i32
    %mul3A_10 = arith.muli %arg1, %mul3A_9 : i32
    %mul3A_11 = arith.constant 640 : i32
    %mul3A_12 = arith.muli %arg1, %mul3A_11 : i32
    "tpu.region"() ({
      %run_scoped3A_65 = tpu.sem_alloc : memref<!tpu.dma_semaphore, #tpu.memory_space<semaphore_mem>>
      %dma_start3A_66 = arith.constant 0 : i32
      %dma_start3A_67 = tpu.memref_slice %arg12[%mul3A_12, %dma_start3A_66] : memref<10240x64xf32, #tpu.memory_space<vmem_shared>> -> memref<640x64xf32, #tpu.memory_space<vmem_shared>>
      %dma_start3A_68 = arith.constant 0 : i32
      %dma_start3A_69 = tpu.memref_slice %arg2[%mul3A_10, %dma_start3A_68] : memref<10240x64xf32, #tpu.memory_space<hbm>> -> memref<640x64xf32, #tpu.memory_space<hbm>>
      tpu.enqueue_dma source(%dma_start3A_69 : memref<640x64xf32, #tpu.memory_space<hbm>>) target(%dma_start3A_67 : memref<640x64xf32, #tpu.memory_space<vmem_shared>>) target_semaphore(%run_scoped3A_65 : memref<!tpu.dma_semaphore, #tpu.memory_space<semaphore_mem>>)
      %dma_wait3A_70 = arith.constant 0 : i32
      %dma_wait3A_71 = tpu.memref_slice %arg12[%mul3A_12, %dma_wait3A_70] : memref<10240x64xf32, #tpu.memory_space<vmem_shared>> -> memref<640x64xf32, #tpu.memory_space<vmem_shared>>
      %dma_wait3A_72 = arith.constant 0 : i32
      %dma_wait3A_73 = tpu.memref_slice %arg2[%mul3A_10, %dma_wait3A_72] : memref<10240x64xf32, #tpu.memory_space<hbm>> -> memref<640x64xf32, #tpu.memory_space<hbm>>
      tpu.wait_dma2 semaphore(%run_scoped3A_65 : memref<!tpu.dma_semaphore, #tpu.memory_space<semaphore_mem>>) src(%dma_wait3A_73 : memref<640x64xf32, #tpu.memory_space<hbm>>) dst(%dma_wait3A_71 : memref<640x64xf32, #tpu.memory_space<vmem_shared>>)
      tpu.yield
    }) : () -> ()
    %barrier3A = arith.constant 0 : index
    tpu.barrier barrier_id(%barrier3A)
    %dma_start3A = arith.constant 0 : i32
    %dma_start3A_13 = arith.constant 0 : i32
    %dma_start3A_14 = tpu.memref_slice %arg6[%dma_start3A, %dma_start3A_13] : memref<81x128xi32, #tpu.memory_space<vmem>> -> memref<1x128xi32, #tpu.memory_space<vmem>>
    %dma_start3A_15 = tpu.memref_squeeze %dma_start3A_14 : memref<1x128xi32, #tpu.memory_space<vmem>> -> memref<128xi32, #tpu.memory_space<vmem>>
    %dma_start3A_16 = arith.constant 0 : i32
    %dma_start3A_17 = arith.constant 0 : i32
    %dma_start3A_18 = tpu.memref_slice %arg11[%dma_start3A_16, %dma_start3A_17] : memref<10240x64xf32, #tpu.memory_space<vmem_shared>> -> memref<10240x64xf32, #tpu.memory_space<vmem_shared>>
    tpu.enqueue_indirect_dma source(%dma_start3A_18 : memref<10240x64xf32, #tpu.memory_space<vmem_shared>>) target(%arg8 : memref<128x64xf32, #tpu.memory_space<vmem>>) offsets(%dma_start3A_15 : memref<128xi32, #tpu.memory_space<vmem>>) semaphore(%arg13 : memref<!tpu.dma_semaphore, #tpu.memory_space<semaphore_mem>>)
    %dma_start3A_19 = arith.constant 1 : i32
    %dma_start3A_20 = arith.constant 0 : i32
    %dma_start3A_21 = tpu.memref_slice %arg6[%dma_start3A_19, %dma_start3A_20] : memref<81x128xi32, #tpu.memory_space<vmem>> -> memref<1x128xi32, #tpu.memory_space<vmem>>
    %dma_start3A_22 = tpu.memref_squeeze %dma_start3A_21 : memref<1x128xi32, #tpu.memory_space<vmem>> -> memref<128xi32, #tpu.memory_space<vmem>>
    %dma_start3A_23 = arith.constant 0 : i32
    %dma_start3A_24 = arith.constant 0 : i32
    %dma_start3A_25 = tpu.memref_slice %arg11[%dma_start3A_23, %dma_start3A_24] : memref<10240x64xf32, #tpu.memory_space<vmem_shared>> -> memref<10240x64xf32, #tpu.memory_space<vmem_shared>>
    tpu.enqueue_indirect_dma source(%dma_start3A_25 : memref<10240x64xf32, #tpu.memory_space<vmem_shared>>) target(%arg9 : memref<128x64xf32, #tpu.memory_space<vmem>>) offsets(%dma_start3A_22 : memref<128xi32, #tpu.memory_space<vmem>>) semaphore(%arg14 : memref<!tpu.dma_semaphore, #tpu.memory_space<semaphore_mem>>)
    %dma_start3A_26 = arith.constant 2 : i32
    %dma_start3A_27 = arith.constant 0 : i32
    %dma_start3A_28 = tpu.memref_slice %arg6[%dma_start3A_26, %dma_start3A_27] : memref<81x128xi32, #tpu.memory_space<vmem>> -> memref<1x128xi32, #tpu.memory_space<vmem>>
    %dma_start3A_29 = tpu.memref_squeeze %dma_start3A_28 : memref<1x128xi32, #tpu.memory_space<vmem>> -> memref<128xi32, #tpu.memory_space<vmem>>
    %dma_start3A_30 = arith.constant 0 : i32
    %dma_start3A_31 = arith.constant 0 : i32
    %dma_start3A_32 = tpu.memref_slice %arg11[%dma_start3A_30, %dma_start3A_31] : memref<10240x64xf32, #tpu.memory_space<vmem_shared>> -> memref<10240x64xf32, #tpu.memory_space<vmem_shared>>
    tpu.enqueue_indirect_dma source(%dma_start3A_32 : memref<10240x64xf32, #tpu.memory_space<vmem_shared>>) target(%arg10 : memref<128x64xf32, #tpu.memory_space<vmem>>) offsets(%dma_start3A_29 : memref<128xi32, #tpu.memory_space<vmem>>) semaphore(%arg15 : memref<!tpu.dma_semaphore, #tpu.memory_space<semaphore_mem>>)
    %scan3A = arith.constant 0 : i32
    %scan3A_33 = arith.constant 0 : i32
    %scan3A_34 = arith.constant 26 : i32
    %scan3A_35 = arith.addi %scan3A_33, %scan3A_34 : i32
    %scan3A_36 = arith.constant 1 : i32
    scf.for %scan3A_65 = %scan3A_33 to %scan3A_35 step %scan3A_36  : i32 {
      %mul3A_66 = arith.constant 3 : i32
      %mul3A_67 = arith.muli %mul3A_66, %scan3A_65 : i32
      %dma_wait3A_68 = arith.constant 0 : i32
      %dma_wait3A_69 = tpu.memref_slice %arg6[%mul3A_67, %dma_wait3A_68] : memref<81x128xi32, #tpu.memory_space<vmem>> -> memref<1x128xi32, #tpu.memory_space<vmem>>
      %dma_wait3A_70 = tpu.memref_squeeze %dma_wait3A_69 : memref<1x128xi32, #tpu.memory_space<vmem>> -> memref<128xi32, #tpu.memory_space<vmem>>
      %dma_wait3A_71 = arith.constant 0 : i32
      %dma_wait3A_72 = arith.constant 0 : i32
      %dma_wait3A_73 = tpu.memref_slice %arg11[%dma_wait3A_71, %dma_wait3A_72] : memref<10240x64xf32, #tpu.memory_space<vmem_shared>> -> memref<10240x64xf32, #tpu.memory_space<vmem_shared>>
      tpu.wait_indirect_dma semaphore(%arg13 : memref<!tpu.dma_semaphore, #tpu.memory_space<semaphore_mem>>) src(%dma_wait3A_73 : memref<10240x64xf32, #tpu.memory_space<vmem_shared>>) dst(%arg8 : memref<128x64xf32, #tpu.memory_space<vmem>>)
      "tpu.region"() ({
        %run_scoped3A_118 = tpu.sem_alloc : memref<!tpu.dma_semaphore, #tpu.memory_space<semaphore_mem>>
        %dma_start3A_119 = arith.constant 0 : i32
        %dma_start3A_120 = tpu.memref_slice %arg7[%mul3A_67, %dma_start3A_119] : memref<81x128xi32, #tpu.memory_space<vmem>> -> memref<1x128xi32, #tpu.memory_space<vmem>>
        %dma_start3A_121 = tpu.memref_squeeze %dma_start3A_120 : memref<1x128xi32, #tpu.memory_space<vmem>> -> memref<128xi32, #tpu.memory_space<vmem>>
        %dma_start3A_122 = arith.constant 0 : i32
        %dma_start3A_123 = arith.constant 0 : i32
        %dma_start3A_124 = tpu.memref_slice %arg12[%dma_start3A_122, %dma_start3A_123] : memref<10240x64xf32, #tpu.memory_space<vmem_shared>> -> memref<10240x64xf32, #tpu.memory_space<vmem_shared>>
        tpu.enqueue_indirect_dma source(%arg8 : memref<128x64xf32, #tpu.memory_space<vmem>>) target(%dma_start3A_124 : memref<10240x64xf32, #tpu.memory_space<vmem_shared>>) offsets(%dma_start3A_121 : memref<128xi32, #tpu.memory_space<vmem>>) semaphore(%run_scoped3A_118 : memref<!tpu.dma_semaphore, #tpu.memory_space<semaphore_mem>>) {add = true}
        %dma_wait3A_125 = arith.constant 0 : i32
        %dma_wait3A_126 = tpu.memref_slice %arg7[%mul3A_67, %dma_wait3A_125] : memref<81x128xi32, #tpu.memory_space<vmem>> -> memref<1x128xi32, #tpu.memory_space<vmem>>
        %dma_wait3A_127 = tpu.memref_squeeze %dma_wait3A_126 : memref<1x128xi32, #tpu.memory_space<vmem>> -> memref<128xi32, #tpu.memory_space<vmem>>
        %dma_wait3A_128 = arith.constant 0 : i32
        %dma_wait3A_129 = arith.constant 0 : i32
        %dma_wait3A_130 = tpu.memref_slice %arg12[%dma_wait3A_128, %dma_wait3A_129] : memref<10240x64xf32, #tpu.memory_space<vmem_shared>> -> memref<10240x64xf32, #tpu.memory_space<vmem_shared>>
        tpu.wait_indirect_dma semaphore(%run_scoped3A_118 : memref<!tpu.dma_semaphore, #tpu.memory_space<semaphore_mem>>) src(%arg8 : memref<128x64xf32, #tpu.memory_space<vmem>>) dst(%dma_wait3A_130 : memref<10240x64xf32, #tpu.memory_space<vmem_shared>>)
        tpu.yield
      }) : () -> ()
      %add3A_74 = arith.constant 3 : i32
      %add3A_75 = arith.addi %mul3A_67, %add3A_74 : i32
      %dma_start3A_76 = arith.constant 0 : i32
      %dma_start3A_77 = tpu.memref_slice %arg6[%add3A_75, %dma_start3A_76] : memref<81x128xi32, #tpu.memory_space<vmem>> -> memref<1x128xi32, #tpu.memory_space<vmem>>
      %dma_start3A_78 = tpu.memref_squeeze %dma_start3A_77 : memref<1x128xi32, #tpu.memory_space<vmem>> -> memref<128xi32, #tpu.memory_space<vmem>>
      %dma_start3A_79 = arith.constant 0 : i32
      %dma_start3A_80 = arith.constant 0 : i32
      %dma_start3A_81 = tpu.memref_slice %arg11[%dma_start3A_79, %dma_start3A_80] : memref<10240x64xf32, #tpu.memory_space<vmem_shared>> -> memref<10240x64xf32, #tpu.memory_space<vmem_shared>>
      tpu.enqueue_indirect_dma source(%dma_start3A_81 : memref<10240x64xf32, #tpu.memory_space<vmem_shared>>) target(%arg8 : memref<128x64xf32, #tpu.memory_space<vmem>>) offsets(%dma_start3A_78 : memref<128xi32, #tpu.memory_space<vmem>>) semaphore(%arg13 : memref<!tpu.dma_semaphore, #tpu.memory_space<semaphore_mem>>)
      %add3A_82 = arith.constant 1 : i32
      %add3A_83 = arith.addi %mul3A_67, %add3A_82 : i32
      %dma_wait3A_84 = arith.constant 0 : i32
      %dma_wait3A_85 = tpu.memref_slice %arg6[%add3A_83, %dma_wait3A_84] : memref<81x128xi32, #tpu.memory_space<vmem>> -> memref<1x128xi32, #tpu.memory_space<vmem>>
      %dma_wait3A_86 = tpu.memref_squeeze %dma_wait3A_85 : memref<1x128xi32, #tpu.memory_space<vmem>> -> memref<128xi32, #tpu.memory_space<vmem>>
      %dma_wait3A_87 = arith.constant 0 : i32
      %dma_wait3A_88 = arith.constant 0 : i32
      %dma_wait3A_89 = tpu.memref_slice %arg11[%dma_wait3A_87, %dma_wait3A_88] : memref<10240x64xf32, #tpu.memory_space<vmem_shared>> -> memref<10240x64xf32, #tpu.memory_space<vmem_shared>>
      tpu.wait_indirect_dma semaphore(%arg14 : memref<!tpu.dma_semaphore, #tpu.memory_space<semaphore_mem>>) src(%dma_wait3A_89 : memref<10240x64xf32, #tpu.memory_space<vmem_shared>>) dst(%arg9 : memref<128x64xf32, #tpu.memory_space<vmem>>)
      %add3A_90 = arith.constant 1 : i32
      %add3A_91 = arith.addi %mul3A_67, %add3A_90 : i32
      "tpu.region"() ({
        %run_scoped3A_118 = tpu.sem_alloc : memref<!tpu.dma_semaphore, #tpu.memory_space<semaphore_mem>>
        %dma_start3A_119 = arith.constant 0 : i32
        %dma_start3A_120 = tpu.memref_slice %arg7[%add3A_91, %dma_start3A_119] : memref<81x128xi32, #tpu.memory_space<vmem>> -> memref<1x128xi32, #tpu.memory_space<vmem>>
        %dma_start3A_121 = tpu.memref_squeeze %dma_start3A_120 : memref<1x128xi32, #tpu.memory_space<vmem>> -> memref<128xi32, #tpu.memory_space<vmem>>
        %dma_start3A_122 = arith.constant 0 : i32
        %dma_start3A_123 = arith.constant 0 : i32
        %dma_start3A_124 = tpu.memref_slice %arg12[%dma_start3A_122, %dma_start3A_123] : memref<10240x64xf32, #tpu.memory_space<vmem_shared>> -> memref<10240x64xf32, #tpu.memory_space<vmem_shared>>
        tpu.enqueue_indirect_dma source(%arg9 : memref<128x64xf32, #tpu.memory_space<vmem>>) target(%dma_start3A_124 : memref<10240x64xf32, #tpu.memory_space<vmem_shared>>) offsets(%dma_start3A_121 : memref<128xi32, #tpu.memory_space<vmem>>) semaphore(%run_scoped3A_118 : memref<!tpu.dma_semaphore, #tpu.memory_space<semaphore_mem>>) {add = true}
        %dma_wait3A_125 = arith.constant 0 : i32
        %dma_wait3A_126 = tpu.memref_slice %arg7[%add3A_91, %dma_wait3A_125] : memref<81x128xi32, #tpu.memory_space<vmem>> -> memref<1x128xi32, #tpu.memory_space<vmem>>
        %dma_wait3A_127 = tpu.memref_squeeze %dma_wait3A_126 : memref<1x128xi32, #tpu.memory_space<vmem>> -> memref<128xi32, #tpu.memory_space<vmem>>
        %dma_wait3A_128 = arith.constant 0 : i32
        %dma_wait3A_129 = arith.constant 0 : i32
        %dma_wait3A_130 = tpu.memref_slice %arg12[%dma_wait3A_128, %dma_wait3A_129] : memref<10240x64xf32, #tpu.memory_space<vmem_shared>> -> memref<10240x64xf32, #tpu.memory_space<vmem_shared>>
        tpu.wait_indirect_dma semaphore(%run_scoped3A_118 : memref<!tpu.dma_semaphore, #tpu.memory_space<semaphore_mem>>) src(%arg9 : memref<128x64xf32, #tpu.memory_space<vmem>>) dst(%dma_wait3A_130 : memref<10240x64xf32, #tpu.memory_space<vmem_shared>>)
        tpu.yield
      }) : () -> ()
      %add3A_92 = arith.constant 4 : i32
      %add3A_93 = arith.addi %mul3A_67, %add3A_92 : i32
      %dma_start3A_94 = arith.constant 0 : i32
      %dma_start3A_95 = tpu.memref_slice %arg6[%add3A_93, %dma_start3A_94] : memref<81x128xi32, #tpu.memory_space<vmem>> -> memref<1x128xi32, #tpu.memory_space<vmem>>
      %dma_start3A_96 = tpu.memref_squeeze %dma_start3A_95 : memref<1x128xi32, #tpu.memory_space<vmem>> -> memref<128xi32, #tpu.memory_space<vmem>>
      %dma_start3A_97 = arith.constant 0 : i32
      %dma_start3A_98 = arith.constant 0 : i32
      %dma_start3A_99 = tpu.memref_slice %arg11[%dma_start3A_97, %dma_start3A_98] : memref<10240x64xf32, #tpu.memory_space<vmem_shared>> -> memref<10240x64xf32, #tpu.memory_space<vmem_shared>>
      tpu.enqueue_indirect_dma source(%dma_start3A_99 : memref<10240x64xf32, #tpu.memory_space<vmem_shared>>) target(%arg9 : memref<128x64xf32, #tpu.memory_space<vmem>>) offsets(%dma_start3A_96 : memref<128xi32, #tpu.memory_space<vmem>>) semaphore(%arg14 : memref<!tpu.dma_semaphore, #tpu.memory_space<semaphore_mem>>)
      %add3A_100 = arith.constant 2 : i32
      %add3A_101 = arith.addi %mul3A_67, %add3A_100 : i32
      %dma_wait3A_102 = arith.constant 0 : i32
      %dma_wait3A_103 = tpu.memref_slice %arg6[%add3A_101, %dma_wait3A_102] : memref<81x128xi32, #tpu.memory_space<vmem>> -> memref<1x128xi32, #tpu.memory_space<vmem>>
      %dma_wait3A_104 = tpu.memref_squeeze %dma_wait3A_103 : memref<1x128xi32, #tpu.memory_space<vmem>> -> memref<128xi32, #tpu.memory_space<vmem>>
      %dma_wait3A_105 = arith.constant 0 : i32
      %dma_wait3A_106 = arith.constant 0 : i32
      %dma_wait3A_107 = tpu.memref_slice %arg11[%dma_wait3A_105, %dma_wait3A_106] : memref<10240x64xf32, #tpu.memory_space<vmem_shared>> -> memref<10240x64xf32, #tpu.memory_space<vmem_shared>>
      tpu.wait_indirect_dma semaphore(%arg15 : memref<!tpu.dma_semaphore, #tpu.memory_space<semaphore_mem>>) src(%dma_wait3A_107 : memref<10240x64xf32, #tpu.memory_space<vmem_shared>>) dst(%arg10 : memref<128x64xf32, #tpu.memory_space<vmem>>)
      %add3A_108 = arith.constant 2 : i32
      %add3A_109 = arith.addi %mul3A_67, %add3A_108 : i32
      "tpu.region"() ({
        %run_scoped3A_118 = tpu.sem_alloc : memref<!tpu.dma_semaphore, #tpu.memory_space<semaphore_mem>>
        %dma_start3A_119 = arith.constant 0 : i32
        %dma_start3A_120 = tpu.memref_slice %arg7[%add3A_109, %dma_start3A_119] : memref<81x128xi32, #tpu.memory_space<vmem>> -> memref<1x128xi32, #tpu.memory_space<vmem>>
        %dma_start3A_121 = tpu.memref_squeeze %dma_start3A_120 : memref<1x128xi32, #tpu.memory_space<vmem>> -> memref<128xi32, #tpu.memory_space<vmem>>
        %dma_start3A_122 = arith.constant 0 : i32
        %dma_start3A_123 = arith.constant 0 : i32
        %dma_start3A_124 = tpu.memref_slice %arg12[%dma_start3A_122, %dma_start3A_123] : memref<10240x64xf32, #tpu.memory_space<vmem_shared>> -> memref<10240x64xf32, #tpu.memory_space<vmem_shared>>
        tpu.enqueue_indirect_dma source(%arg10 : memref<128x64xf32, #tpu.memory_space<vmem>>) target(%dma_start3A_124 : memref<10240x64xf32, #tpu.memory_space<vmem_shared>>) offsets(%dma_start3A_121 : memref<128xi32, #tpu.memory_space<vmem>>) semaphore(%run_scoped3A_118 : memref<!tpu.dma_semaphore, #tpu.memory_space<semaphore_mem>>) {add = true}
        %dma_wait3A_125 = arith.constant 0 : i32
        %dma_wait3A_126 = tpu.memref_slice %arg7[%add3A_109, %dma_wait3A_125] : memref<81x128xi32, #tpu.memory_space<vmem>> -> memref<1x128xi32, #tpu.memory_space<vmem>>
        %dma_wait3A_127 = tpu.memref_squeeze %dma_wait3A_126 : memref<1x128xi32, #tpu.memory_space<vmem>> -> memref<128xi32, #tpu.memory_space<vmem>>
        %dma_wait3A_128 = arith.constant 0 : i32
        %dma_wait3A_129 = arith.constant 0 : i32
        %dma_wait3A_130 = tpu.memref_slice %arg12[%dma_wait3A_128, %dma_wait3A_129] : memref<10240x64xf32, #tpu.memory_space<vmem_shared>> -> memref<10240x64xf32, #tpu.memory_space<vmem_shared>>
        tpu.wait_indirect_dma semaphore(%run_scoped3A_118 : memref<!tpu.dma_semaphore, #tpu.memory_space<semaphore_mem>>) src(%arg10 : memref<128x64xf32, #tpu.memory_space<vmem>>) dst(%dma_wait3A_130 : memref<10240x64xf32, #tpu.memory_space<vmem_shared>>)
        tpu.yield
      }) : () -> ()
      %add3A_110 = arith.constant 5 : i32
      %add3A_111 = arith.addi %mul3A_67, %add3A_110 : i32
      %dma_start3A_112 = arith.constant 0 : i32
      %dma_start3A_113 = tpu.memref_slice %arg6[%add3A_111, %dma_start3A_112] : memref<81x128xi32, #tpu.memory_space<vmem>> -> memref<1x128xi32, #tpu.memory_space<vmem>>
      %dma_start3A_114 = tpu.memref_squeeze %dma_start3A_113 : memref<1x128xi32, #tpu.memory_space<vmem>> -> memref<128xi32, #tpu.memory_space<vmem>>
      %dma_start3A_115 = arith.constant 0 : i32
      %dma_start3A_116 = arith.constant 0 : i32
      %dma_start3A_117 = tpu.memref_slice %arg11[%dma_start3A_115, %dma_start3A_116] : memref<10240x64xf32, #tpu.memory_space<vmem_shared>> -> memref<10240x64xf32, #tpu.memory_space<vmem_shared>>
      tpu.enqueue_indirect_dma source(%dma_start3A_117 : memref<10240x64xf32, #tpu.memory_space<vmem_shared>>) target(%arg10 : memref<128x64xf32, #tpu.memory_space<vmem>>) offsets(%dma_start3A_114 : memref<128xi32, #tpu.memory_space<vmem>>) semaphore(%arg15 : memref<!tpu.dma_semaphore, #tpu.memory_space<semaphore_mem>>)
    }
    %scan3A_37 = arith.constant 26 : i32
    %dma_wait3A = arith.constant 78 : i32
    %dma_wait3A_38 = arith.constant 0 : i32
    %dma_wait3A_39 = tpu.memref_slice %arg6[%dma_wait3A, %dma_wait3A_38] : memref<81x128xi32, #tpu.memory_space<vmem>> -> memref<1x128xi32, #tpu.memory_space<vmem>>
    %dma_wait3A_40 = tpu.memref_squeeze %dma_wait3A_39 : memref<1x128xi32, #tpu.memory_space<vmem>> -> memref<128xi32, #tpu.memory_space<vmem>>
    %dma_wait3A_41 = arith.constant 0 : i32
    %dma_wait3A_42 = arith.constant 0 : i32
    %dma_wait3A_43 = tpu.memref_slice %arg11[%dma_wait3A_41, %dma_wait3A_42] : memref<10240x64xf32, #tpu.memory_space<vmem_shared>> -> memref<10240x64xf32, #tpu.memory_space<vmem_shared>>
    tpu.wait_indirect_dma semaphore(%arg13 : memref<!tpu.dma_semaphore, #tpu.memory_space<semaphore_mem>>) src(%dma_wait3A_43 : memref<10240x64xf32, #tpu.memory_space<vmem_shared>>) dst(%arg8 : memref<128x64xf32, #tpu.memory_space<vmem>>)
    %run_scoped3A = arith.constant 78 : i32
    "tpu.region"() ({
      %run_scoped3A_65 = tpu.sem_alloc : memref<!tpu.dma_semaphore, #tpu.memory_space<semaphore_mem>>
      %dma_start3A_66 = arith.constant 0 : i32
      %dma_start3A_67 = tpu.memref_slice %arg7[%run_scoped3A, %dma_start3A_66] : memref<81x128xi32, #tpu.memory_space<vmem>> -> memref<1x128xi32, #tpu.memory_space<vmem>>
      %dma_start3A_68 = tpu.memref_squeeze %dma_start3A_67 : memref<1x128xi32, #tpu.memory_space<vmem>> -> memref<128xi32, #tpu.memory_space<vmem>>
      %dma_start3A_69 = arith.constant 0 : i32
      %dma_start3A_70 = arith.constant 0 : i32
      %dma_start3A_71 = tpu.memref_slice %arg12[%dma_start3A_69, %dma_start3A_70] : memref<10240x64xf32, #tpu.memory_space<vmem_shared>> -> memref<10240x64xf32, #tpu.memory_space<vmem_shared>>
      tpu.enqueue_indirect_dma source(%arg8 : memref<128x64xf32, #tpu.memory_space<vmem>>) target(%dma_start3A_71 : memref<10240x64xf32, #tpu.memory_space<vmem_shared>>) offsets(%dma_start3A_68 : memref<128xi32, #tpu.memory_space<vmem>>) semaphore(%run_scoped3A_65 : memref<!tpu.dma_semaphore, #tpu.memory_space<semaphore_mem>>) {add = true}
      %dma_wait3A_72 = arith.constant 0 : i32
      %dma_wait3A_73 = tpu.memref_slice %arg7[%run_scoped3A, %dma_wait3A_72] : memref<81x128xi32, #tpu.memory_space<vmem>> -> memref<1x128xi32, #tpu.memory_space<vmem>>
      %dma_wait3A_74 = tpu.memref_squeeze %dma_wait3A_73 : memref<1x128xi32, #tpu.memory_space<vmem>> -> memref<128xi32, #tpu.memory_space<vmem>>
      %dma_wait3A_75 = arith.constant 0 : i32
      %dma_wait3A_76 = arith.constant 0 : i32
      %dma_wait3A_77 = tpu.memref_slice %arg12[%dma_wait3A_75, %dma_wait3A_76] : memref<10240x64xf32, #tpu.memory_space<vmem_shared>> -> memref<10240x64xf32, #tpu.memory_space<vmem_shared>>
      tpu.wait_indirect_dma semaphore(%run_scoped3A_65 : memref<!tpu.dma_semaphore, #tpu.memory_space<semaphore_mem>>) src(%arg8 : memref<128x64xf32, #tpu.memory_space<vmem>>) dst(%dma_wait3A_77 : memref<10240x64xf32, #tpu.memory_space<vmem_shared>>)
      tpu.yield
    }) : () -> ()
    %dma_wait3A_44 = arith.constant 79 : i32
    %dma_wait3A_45 = arith.constant 0 : i32
    %dma_wait3A_46 = tpu.memref_slice %arg6[%dma_wait3A_44, %dma_wait3A_45] : memref<81x128xi32, #tpu.memory_space<vmem>> -> memref<1x128xi32, #tpu.memory_space<vmem>>
    %dma_wait3A_47 = tpu.memref_squeeze %dma_wait3A_46 : memref<1x128xi32, #tpu.memory_space<vmem>> -> memref<128xi32, #tpu.memory_space<vmem>>
    %dma_wait3A_48 = arith.constant 0 : i32
    %dma_wait3A_49 = arith.constant 0 : i32
    %dma_wait3A_50 = tpu.memref_slice %arg11[%dma_wait3A_48, %dma_wait3A_49] : memref<10240x64xf32, #tpu.memory_space<vmem_shared>> -> memref<10240x64xf32, #tpu.memory_space<vmem_shared>>
    tpu.wait_indirect_dma semaphore(%arg14 : memref<!tpu.dma_semaphore, #tpu.memory_space<semaphore_mem>>) src(%dma_wait3A_50 : memref<10240x64xf32, #tpu.memory_space<vmem_shared>>) dst(%arg9 : memref<128x64xf32, #tpu.memory_space<vmem>>)
    %run_scoped3A_51 = arith.constant 79 : i32
    "tpu.region"() ({
      %run_scoped3A_65 = tpu.sem_alloc : memref<!tpu.dma_semaphore, #tpu.memory_space<semaphore_mem>>
      %dma_start3A_66 = arith.constant 0 : i32
      %dma_start3A_67 = tpu.memref_slice %arg7[%run_scoped3A_51, %dma_start3A_66] : memref<81x128xi32, #tpu.memory_space<vmem>> -> memref<1x128xi32, #tpu.memory_space<vmem>>
      %dma_start3A_68 = tpu.memref_squeeze %dma_start3A_67 : memref<1x128xi32, #tpu.memory_space<vmem>> -> memref<128xi32, #tpu.memory_space<vmem>>
      %dma_start3A_69 = arith.constant 0 : i32
      %dma_start3A_70 = arith.constant 0 : i32
      %dma_start3A_71 = tpu.memref_slice %arg12[%dma_start3A_69, %dma_start3A_70] : memref<10240x64xf32, #tpu.memory_space<vmem_shared>> -> memref<10240x64xf32, #tpu.memory_space<vmem_shared>>
      tpu.enqueue_indirect_dma source(%arg9 : memref<128x64xf32, #tpu.memory_space<vmem>>) target(%dma_start3A_71 : memref<10240x64xf32, #tpu.memory_space<vmem_shared>>) offsets(%dma_start3A_68 : memref<128xi32, #tpu.memory_space<vmem>>) semaphore(%run_scoped3A_65 : memref<!tpu.dma_semaphore, #tpu.memory_space<semaphore_mem>>) {add = true}
      %dma_wait3A_72 = arith.constant 0 : i32
      %dma_wait3A_73 = tpu.memref_slice %arg7[%run_scoped3A_51, %dma_wait3A_72] : memref<81x128xi32, #tpu.memory_space<vmem>> -> memref<1x128xi32, #tpu.memory_space<vmem>>
      %dma_wait3A_74 = tpu.memref_squeeze %dma_wait3A_73 : memref<1x128xi32, #tpu.memory_space<vmem>> -> memref<128xi32, #tpu.memory_space<vmem>>
      %dma_wait3A_75 = arith.constant 0 : i32
      %dma_wait3A_76 = arith.constant 0 : i32
      %dma_wait3A_77 = tpu.memref_slice %arg12[%dma_wait3A_75, %dma_wait3A_76] : memref<10240x64xf32, #tpu.memory_space<vmem_shared>> -> memref<10240x64xf32, #tpu.memory_space<vmem_shared>>
      tpu.wait_indirect_dma semaphore(%run_scoped3A_65 : memref<!tpu.dma_semaphore, #tpu.memory_space<semaphore_mem>>) src(%arg9 : memref<128x64xf32, #tpu.memory_space<vmem>>) dst(%dma_wait3A_77 : memref<10240x64xf32, #tpu.memory_space<vmem_shared>>)
      tpu.yield
    }) : () -> ()
    %dma_wait3A_52 = arith.constant 80 : i32
    %dma_wait3A_53 = arith.constant 0 : i32
    %dma_wait3A_54 = tpu.memref_slice %arg6[%dma_wait3A_52, %dma_wait3A_53] : memref<81x128xi32, #tpu.memory_space<vmem>> -> memref<1x128xi32, #tpu.memory_space<vmem>>
    %dma_wait3A_55 = tpu.memref_squeeze %dma_wait3A_54 : memref<1x128xi32, #tpu.memory_space<vmem>> -> memref<128xi32, #tpu.memory_space<vmem>>
    %dma_wait3A_56 = arith.constant 0 : i32
    %dma_wait3A_57 = arith.constant 0 : i32
    %dma_wait3A_58 = tpu.memref_slice %arg11[%dma_wait3A_56, %dma_wait3A_57] : memref<10240x64xf32, #tpu.memory_space<vmem_shared>> -> memref<10240x64xf32, #tpu.memory_space<vmem_shared>>
    tpu.wait_indirect_dma semaphore(%arg15 : memref<!tpu.dma_semaphore, #tpu.memory_space<semaphore_mem>>) src(%dma_wait3A_58 : memref<10240x64xf32, #tpu.memory_space<vmem_shared>>) dst(%arg10 : memref<128x64xf32, #tpu.memory_space<vmem>>)
    %run_scoped3A_59 = arith.constant 80 : i32
    "tpu.region"() ({
      %run_scoped3A_65 = tpu.sem_alloc : memref<!tpu.dma_semaphore, #tpu.memory_space<semaphore_mem>>
      %dma_start3A_66 = arith.constant 0 : i32
      %dma_start3A_67 = tpu.memref_slice %arg7[%run_scoped3A_59, %dma_start3A_66] : memref<81x128xi32, #tpu.memory_space<vmem>> -> memref<1x128xi32, #tpu.memory_space<vmem>>
      %dma_start3A_68 = tpu.memref_squeeze %dma_start3A_67 : memref<1x128xi32, #tpu.memory_space<vmem>> -> memref<128xi32, #tpu.memory_space<vmem>>
      %dma_start3A_69 = arith.constant 0 : i32
      %dma_start3A_70 = arith.constant 0 : i32
      %dma_start3A_71 = tpu.memref_slice %arg12[%dma_start3A_69, %dma_start3A_70] : memref<10240x64xf32, #tpu.memory_space<vmem_shared>> -> memref<10240x64xf32, #tpu.memory_space<vmem_shared>>
      tpu.enqueue_indirect_dma source(%arg10 : memref<128x64xf32, #tpu.memory_space<vmem>>) target(%dma_start3A_71 : memref<10240x64xf32, #tpu.memory_space<vmem_shared>>) offsets(%dma_start3A_68 : memref<128xi32, #tpu.memory_space<vmem>>) semaphore(%run_scoped3A_65 : memref<!tpu.dma_semaphore, #tpu.memory_space<semaphore_mem>>) {add = true}
      %dma_wait3A_72 = arith.constant 0 : i32
      %dma_wait3A_73 = tpu.memref_slice %arg7[%run_scoped3A_59, %dma_wait3A_72] : memref<81x128xi32, #tpu.memory_space<vmem>> -> memref<1x128xi32, #tpu.memory_space<vmem>>
      %dma_wait3A_74 = tpu.memref_squeeze %dma_wait3A_73 : memref<1x128xi32, #tpu.memory_space<vmem>> -> memref<128xi32, #tpu.memory_space<vmem>>
      %dma_wait3A_75 = arith.constant 0 : i32
      %dma_wait3A_76 = arith.constant 0 : i32
      %dma_wait3A_77 = tpu.memref_slice %arg12[%dma_wait3A_75, %dma_wait3A_76] : memref<10240x64xf32, #tpu.memory_space<vmem_shared>> -> memref<10240x64xf32, #tpu.memory_space<vmem_shared>>
      tpu.wait_indirect_dma semaphore(%run_scoped3A_65 : memref<!tpu.dma_semaphore, #tpu.memory_space<semaphore_mem>>) src(%arg10 : memref<128x64xf32, #tpu.memory_space<vmem>>) dst(%dma_wait3A_77 : memref<10240x64xf32, #tpu.memory_space<vmem_shared>>)
      tpu.yield
    }) : () -> ()
    %barrier3A_60 = arith.constant 0 : index
    tpu.barrier barrier_id(%barrier3A_60)
    %mul3A_61 = arith.constant 640 : i32
    %mul3A_62 = arith.muli %arg1, %mul3A_61 : i32
    %mul3A_63 = arith.constant 640 : i32
    %mul3A_64 = arith.muli %arg1, %mul3A_63 : i32
    "tpu.region"() ({
      %run_scoped3A_65 = tpu.sem_alloc : memref<!tpu.dma_semaphore, #tpu.memory_space<semaphore_mem>>
      %dma_start3A_66 = arith.constant 0 : i32
      %dma_start3A_67 = arith.constant 0 : i32
      %dma_start3A_68 = tpu.memref_slice %arg5[%arg0, %dma_start3A_66, %dma_start3A_67] : memref<2x10240x64xf32, #tpu.memory_space<hbm>> -> memref<1x10240x64xf32, #tpu.memory_space<hbm>>
      %dma_start3A_69 = tpu.memref_squeeze %dma_start3A_68 : memref<1x10240x64xf32, #tpu.memory_space<hbm>> -> memref<10240x64xf32, #tpu.memory_space<hbm>>
      %dma_start3A_70 = arith.constant 0 : i32
      %dma_start3A_71 = tpu.memref_slice %dma_start3A_69[%mul3A_64, %dma_start3A_70] : memref<10240x64xf32, #tpu.memory_space<hbm>> -> memref<640x64xf32, #tpu.memory_space<hbm>>
      %dma_start3A_72 = arith.constant 0 : i32
      %dma_start3A_73 = tpu.memref_slice %arg12[%mul3A_62, %dma_start3A_72] : memref<10240x64xf32, #tpu.memory_space<vmem_shared>> -> memref<640x64xf32, #tpu.memory_space<vmem_shared>>
      tpu.enqueue_dma source(%dma_start3A_73 : memref<640x64xf32, #tpu.memory_space<vmem_shared>>) target(%dma_start3A_71 : memref<640x64xf32, #tpu.memory_space<hbm>>) target_semaphore(%run_scoped3A_65 : memref<!tpu.dma_semaphore, #tpu.memory_space<semaphore_mem>>)
      %dma_wait3A_74 = arith.constant 0 : i32
      %dma_wait3A_75 = arith.constant 0 : i32
      %dma_wait3A_76 = tpu.memref_slice %arg5[%arg0, %dma_wait3A_74, %dma_wait3A_75] : memref<2x10240x64xf32, #tpu.memory_space<hbm>> -> memref<1x10240x64xf32, #tpu.memory_space<hbm>>
      %dma_wait3A_77 = tpu.memref_squeeze %dma_wait3A_76 : memref<1x10240x64xf32, #tpu.memory_space<hbm>> -> memref<10240x64xf32, #tpu.memory_space<hbm>>
      %dma_wait3A_78 = arith.constant 0 : i32
      %dma_wait3A_79 = tpu.memref_slice %dma_wait3A_77[%mul3A_64, %dma_wait3A_78] : memref<10240x64xf32, #tpu.memory_space<hbm>> -> memref<640x64xf32, #tpu.memory_space<hbm>>
      %dma_wait3A_80 = arith.constant 0 : i32
      %dma_wait3A_81 = tpu.memref_slice %arg12[%mul3A_62, %dma_wait3A_80] : memref<10240x64xf32, #tpu.memory_space<vmem_shared>> -> memref<640x64xf32, #tpu.memory_space<vmem_shared>>
      tpu.wait_dma2 semaphore(%run_scoped3A_65 : memref<!tpu.dma_semaphore, #tpu.memory_space<semaphore_mem>>) src(%dma_wait3A_81 : memref<640x64xf32, #tpu.memory_space<vmem_shared>>) dst(%dma_wait3A_79 : memref<640x64xf32, #tpu.memory_space<hbm>>)
      tpu.yield
    }) : () -> ()
    return
  }
}

module attributes {stable_mosaic.version = 14 : i64} {
  func.func @_tc1_body(%arg0: i32, %arg1: memref<512x128xf32, #tpu.memory_space<vmem>>, %arg2: memref<128x64xf32, #tpu.memory_space<vmem>>, %arg3: memref<2x512x16xf32, #tpu.memory_space<vmem>>, %arg4: memref<512x64xf32, #tpu.memory_space<vmem>>) attributes {dimension_semantics = [#tpu.dimension_semantics<arbitrary>], iteration_bounds = array<i64: 20>, scalar_prefetch = 0 : i64, scratch_operands = 0 : i64, tpu.core_type = #tpu.core_type<tc>, window_params = [{transform_indices = @transform_0, window_bounds = array<i64: 512, 128>}, {pipeline_mode = #tpu.pipeline_mode<synchronous>, transform_indices = @transform_1, window_bounds = array<i64: 128, 64>}, {transform_indices = @transform_2, window_bounds = array<i64: 2, 512, 16>}, {transform_indices = @transform_3, window_bounds = array<i64: 512, 64>}]} {
    %get3A = arith.constant 0 : index
    %get3A_0 = arith.constant 0 : index
    %get3A_1 = arith.constant 0 : index
    %get3A_2 = vector.load %arg3[%get3A, %get3A_0, %get3A_1] : memref<2x512x16xf32, #tpu.memory_space<vmem>>, vector<2x512x16xf32>
    %slice3A = vector.extract_strided_slice %get3A_2 {offsets = [0, 0, 0], sizes = [1, 512, 1], strides = [1, 1, 1]} : vector<2x512x16xf32> to vector<1x512x1xf32>
    %squeeze3A = vector.shape_cast %slice3A : vector<1x512x1xf32> to vector<512x1xf32>
    %slice3A_3 = vector.extract_strided_slice %get3A_2 {offsets = [1, 0, 0], sizes = [1, 512, 1], strides = [1, 1, 1]} : vector<2x512x16xf32> to vector<1x512x1xf32>
    %squeeze3A_4 = vector.shape_cast %slice3A_3 : vector<1x512x1xf32> to vector<512x1xf32>
    %add3A = arith.addf %squeeze3A, %squeeze3A_4 : vector<512x1xf32>
    %add3A_5 = arith.constant 1.000000e+00 : f32
    %add3A_6 = vector.broadcast %add3A_5 : f32 to vector<512x1xf32>
    %add3A_7 = arith.addf %add3A, %add3A_6 : vector<512x1xf32>
    %rsqrt3A = math.rsqrt %add3A_7 : vector<512x1xf32>
    %get3A_8 = arith.constant 0 : index
    %get3A_9 = arith.constant 0 : index
    %get3A_10 = vector.load %arg1[%get3A_8, %get3A_9] : memref<512x128xf32, #tpu.memory_space<vmem>>, vector<512x128xf32>
    %get3A_11 = arith.constant 0 : index
    %get3A_12 = arith.constant 0 : index
    %get3A_13 = vector.load %arg2[%get3A_11, %get3A_12] : memref<128x64xf32, #tpu.memory_space<vmem>>, vector<128x64xf32>
    %dot_general3A = arith.constant dense<0.000000e+00> : vector<512x64xf32>
    %dot_general3A_14 = tpu.matmul %get3A_10, %get3A_13, %dot_general3A {dimension_numbers = #tpu.dot_dimension_numbers<[1], [0], [0], [1], [0, 0, 1, 1], [], []>, transpose_lhs_hint = false} : vector<512x128xf32>, vector<128x64xf32>, vector<512x64xf32> -> vector<512x64xf32>
    %mul3A = vector.broadcast %rsqrt3A : vector<512x1xf32> to vector<512x64xf32>
    %mul3A_15 = arith.mulf %dot_general3A_14, %mul3A : vector<512x64xf32>
    %swap3A = arith.constant 0 : index
    %swap3A_16 = arith.constant 0 : index
    %swap3A_17 = vector.load %arg4[%swap3A, %swap3A_16] : memref<512x64xf32, #tpu.memory_space<vmem>>, vector<512x64xf32>
    tpu.vector_store %arg4[%swap3A, %swap3A_16], %mul3A_15 {strides = array<i32>} : memref<512x64xf32, #tpu.memory_space<vmem>>, vector<512x64xf32>,
    return
  }
  func.func @transform_0(%arg0: i32) -> (i32, i32) {
    %c0_i32 = arith.constant 0 : i32
    %c0_i32_0 = arith.constant 0 : i32
    return %arg0, %c0_i32 : i32, i32
  }
  func.func @transform_1(%arg0: i32) -> (i32, i32) {
    %c0_i32 = arith.constant 0 : i32
    %c0_i32_0 = arith.constant 0 : i32
    %c0_i32_1 = arith.constant 0 : i32
    return %c0_i32, %c0_i32_0 : i32, i32
  }
  func.func @transform_2(%arg0: i32) -> (i32, i32, i32) {
    %c0_i32 = arith.constant 0 : i32
    %c0_i32_0 = arith.constant 0 : i32
    %c0_i32_1 = arith.constant 0 : i32
    return %c0_i32, %arg0, %c0_i32_0 : i32, i32, i32
  }
  func.func @transform_3(%arg0: i32) -> (i32, i32) {
    %c0_i32 = arith.constant 0 : i32
    %c0_i32_0 = arith.constant 0 : i32
    return %arg0, %c0_i32 : i32, i32
  }
}

module attributes {stable_mosaic.version = 14 : i64} {
  func.func @_tc2_body(%arg0: i32, %arg1: memref<2x512x64xf32, #tpu.memory_space<vmem>>, %arg2: memref<512x64xf32, #tpu.memory_space<vmem>>, %arg3: memref<2x512x16xf32, #tpu.memory_space<vmem>>, %arg4: memref<1x64xf32, #tpu.memory_space<vmem>>, %arg5: memref<512x64xf32, #tpu.memory_space<vmem>>) attributes {dimension_semantics = [#tpu.dimension_semantics<arbitrary>], iteration_bounds = array<i64: 20>, scalar_prefetch = 0 : i64, scratch_operands = 0 : i64, tpu.core_type = #tpu.core_type<tc>, window_params = [{transform_indices = @transform_0, window_bounds = array<i64: 2, 512, 64>}, {transform_indices = @transform_1, window_bounds = array<i64: 512, 64>}, {transform_indices = @transform_2, window_bounds = array<i64: 2, 512, 16>}, {pipeline_mode = #tpu.pipeline_mode<synchronous>, transform_indices = @transform_3, window_bounds = array<i64: 1, 64>}, {transform_indices = @transform_4, window_bounds = array<i64: 512, 64>}]} {
    %get3A = arith.constant 0 : index
    %get3A_0 = arith.constant 0 : index
    %get3A_1 = arith.constant 0 : index
    %get3A_2 = vector.load %arg3[%get3A, %get3A_0, %get3A_1] : memref<2x512x16xf32, #tpu.memory_space<vmem>>, vector<2x512x16xf32>
    %slice3A = vector.extract_strided_slice %get3A_2 {offsets = [0, 0, 0], sizes = [1, 512, 1], strides = [1, 1, 1]} : vector<2x512x16xf32> to vector<1x512x1xf32>
    %squeeze3A = vector.shape_cast %slice3A : vector<1x512x1xf32> to vector<512x1xf32>
    %slice3A_3 = vector.extract_strided_slice %get3A_2 {offsets = [1, 0, 0], sizes = [1, 512, 1], strides = [1, 1, 1]} : vector<2x512x16xf32> to vector<1x512x1xf32>
    %squeeze3A_4 = vector.shape_cast %slice3A_3 : vector<1x512x1xf32> to vector<512x1xf32>
    %add3A = arith.addf %squeeze3A, %squeeze3A_4 : vector<512x1xf32>
    %add3A_5 = arith.constant 1.000000e+00 : f32
    %add3A_6 = vector.broadcast %add3A_5 : f32 to vector<512x1xf32>
    %add3A_7 = arith.addf %add3A, %add3A_6 : vector<512x1xf32>
    %rsqrt3A = math.rsqrt %add3A_7 : vector<512x1xf32>
    %get3A_8 = arith.constant 0 : index
    %get3A_9 = arith.constant 0 : index
    %get3A_10 = arith.constant 0 : index
    %get3A_11 = vector.load %arg1[%get3A_8, %get3A_9, %get3A_10] : memref<2x512x64xf32, #tpu.memory_space<vmem>>, vector<1x512x64xf32>
    %get3A_12 = vector.shape_cast %get3A_11 : vector<1x512x64xf32> to vector<512x64xf32>
    %get3A_13 = arith.constant 1 : index
    %get3A_14 = arith.constant 0 : index
    %get3A_15 = arith.constant 0 : index
    %get3A_16 = vector.load %arg1[%get3A_13, %get3A_14, %get3A_15] : memref<2x512x64xf32, #tpu.memory_space<vmem>>, vector<1x512x64xf32>
    %get3A_17 = vector.shape_cast %get3A_16 : vector<1x512x64xf32> to vector<512x64xf32>
    %add3A_18 = arith.addf %get3A_12, %get3A_17 : vector<512x64xf32>
    %get3A_19 = arith.constant 0 : index
    %get3A_20 = arith.constant 0 : index
    %get3A_21 = vector.load %arg2[%get3A_19, %get3A_20] : memref<512x64xf32, #tpu.memory_space<vmem>>, vector<512x64xf32>
    %sub3A = arith.subf %add3A_18, %get3A_21 : vector<512x64xf32>
    %mul3A = vector.broadcast %rsqrt3A : vector<512x1xf32> to vector<512x64xf32>
    %mul3A_22 = arith.mulf %sub3A, %mul3A : vector<512x64xf32>
    %get3A_23 = arith.constant 0 : index
    %get3A_24 = arith.constant 0 : index
    %get3A_25 = vector.load %arg4[%get3A_23, %get3A_24] : memref<1x64xf32, #tpu.memory_space<vmem>>, vector<1x64xf32>
    %add3A_26 = vector.broadcast %get3A_25 : vector<1x64xf32> to vector<512x64xf32>
    %add3A_27 = arith.addf %mul3A_22, %add3A_26 : vector<512x64xf32>
    %max3A = arith.constant 0.000000e+00 : f32
    %max3A_28 = vector.broadcast %max3A : f32 to vector<512x64xf32>
    %max3A_29 = arith.maximumf %add3A_27, %max3A_28 : vector<512x64xf32>
    %mul3A_30 = vector.broadcast %rsqrt3A : vector<512x1xf32> to vector<512x64xf32>
    %mul3A_31 = arith.mulf %max3A_29, %mul3A_30 : vector<512x64xf32>
    %swap3A = arith.constant 0 : index
    %swap3A_32 = arith.constant 0 : index
    %swap3A_33 = vector.load %arg5[%swap3A, %swap3A_32] : memref<512x64xf32, #tpu.memory_space<vmem>>, vector<512x64xf32>
    tpu.vector_store %arg5[%swap3A, %swap3A_32], %mul3A_31 {strides = array<i32>} : memref<512x64xf32, #tpu.memory_space<vmem>>, vector<512x64xf32>,
    return
  }
  func.func @transform_0(%arg0: i32) -> (i32, i32, i32) {
    %c0_i32 = arith.constant 0 : i32
    %c0_i32_0 = arith.constant 0 : i32
    %c0_i32_1 = arith.constant 0 : i32
    return %c0_i32, %arg0, %c0_i32_0 : i32, i32, i32
  }
  func.func @transform_1(%arg0: i32) -> (i32, i32) {
    %c0_i32 = arith.constant 0 : i32
    %c0_i32_0 = arith.constant 0 : i32
    return %arg0, %c0_i32 : i32, i32
  }
  func.func @transform_2(%arg0: i32) -> (i32, i32, i32) {
    %c0_i32 = arith.constant 0 : i32
    %c0_i32_0 = arith.constant 0 : i32
    %c0_i32_1 = arith.constant 0 : i32
    return %c0_i32, %arg0, %c0_i32_0 : i32, i32, i32
  }
  func.func @transform_3(%arg0: i32) -> (i32, i32) {
    %c0_i32 = arith.constant 0 : i32
    %c0_i32_0 = arith.constant 0 : i32
    %c0_i32_1 = arith.constant 0 : i32
    return %c0_i32, %c0_i32_0 : i32, i32
  }
  func.func @transform_4(%arg0: i32) -> (i32, i32) {
    %c0_i32 = arith.constant 0 : i32
    %c0_i32_0 = arith.constant 0 : i32
    return %arg0, %c0_i32 : i32, i32
  }
}

module attributes {stable_mosaic.version = 14 : i64} {
  func.func @_tc3_body(%arg0: i32, %arg1: memref<2x512x64xf32, #tpu.memory_space<vmem>>, %arg2: memref<512x64xf32, #tpu.memory_space<vmem>>, %arg3: memref<2x512x16xf32, #tpu.memory_space<vmem>>, %arg4: memref<64x128xf32, #tpu.memory_space<vmem>>, %arg5: memref<1x128xf32, #tpu.memory_space<vmem>>, %arg6: memref<512x128xf32, #tpu.memory_space<vmem>>) attributes {dimension_semantics = [#tpu.dimension_semantics<arbitrary>], iteration_bounds = array<i64: 20>, scalar_prefetch = 0 : i64, scratch_operands = 0 : i64, tpu.core_type = #tpu.core_type<tc>, window_params = [{transform_indices = @transform_0, window_bounds = array<i64: 2, 512, 64>}, {transform_indices = @transform_1, window_bounds = array<i64: 512, 64>}, {transform_indices = @transform_2, window_bounds = array<i64: 2, 512, 16>}, {pipeline_mode = #tpu.pipeline_mode<synchronous>, transform_indices = @transform_3, window_bounds = array<i64: 64, 128>}, {pipeline_mode = #tpu.pipeline_mode<synchronous>, transform_indices = @transform_4, window_bounds = array<i64: 1, 128>}, {transform_indices = @transform_5, window_bounds = array<i64: 512, 128>}]} {
    %get3A = arith.constant 0 : index
    %get3A_0 = arith.constant 0 : index
    %get3A_1 = arith.constant 0 : index
    %get3A_2 = vector.load %arg3[%get3A, %get3A_0, %get3A_1] : memref<2x512x16xf32, #tpu.memory_space<vmem>>, vector<2x512x16xf32>
    %slice3A = vector.extract_strided_slice %get3A_2 {offsets = [0, 0, 0], sizes = [1, 512, 1], strides = [1, 1, 1]} : vector<2x512x16xf32> to vector<1x512x1xf32>
    %squeeze3A = vector.shape_cast %slice3A : vector<1x512x1xf32> to vector<512x1xf32>
    %slice3A_3 = vector.extract_strided_slice %get3A_2 {offsets = [1, 0, 0], sizes = [1, 512, 1], strides = [1, 1, 1]} : vector<2x512x16xf32> to vector<1x512x1xf32>
    %squeeze3A_4 = vector.shape_cast %slice3A_3 : vector<1x512x1xf32> to vector<512x1xf32>
    %add3A = arith.addf %squeeze3A, %squeeze3A_4 : vector<512x1xf32>
    %add3A_5 = arith.constant 1.000000e+00 : f32
    %add3A_6 = vector.broadcast %add3A_5 : f32 to vector<512x1xf32>
    %add3A_7 = arith.addf %add3A, %add3A_6 : vector<512x1xf32>
    %rsqrt3A = math.rsqrt %add3A_7 : vector<512x1xf32>
    %get3A_8 = arith.constant 0 : index
    %get3A_9 = arith.constant 0 : index
    %get3A_10 = arith.constant 0 : index
    %get3A_11 = vector.load %arg1[%get3A_8, %get3A_9, %get3A_10] : memref<2x512x64xf32, #tpu.memory_space<vmem>>, vector<1x512x64xf32>
    %get3A_12 = vector.shape_cast %get3A_11 : vector<1x512x64xf32> to vector<512x64xf32>
    %get3A_13 = arith.constant 1 : index
    %get3A_14 = arith.constant 0 : index
    %get3A_15 = arith.constant 0 : index
    %get3A_16 = vector.load %arg1[%get3A_13, %get3A_14, %get3A_15] : memref<2x512x64xf32, #tpu.memory_space<vmem>>, vector<1x512x64xf32>
    %get3A_17 = vector.shape_cast %get3A_16 : vector<1x512x64xf32> to vector<512x64xf32>
    %add3A_18 = arith.addf %get3A_12, %get3A_17 : vector<512x64xf32>
    %get3A_19 = arith.constant 0 : index
    %get3A_20 = arith.constant 0 : index
    %get3A_21 = vector.load %arg2[%get3A_19, %get3A_20] : memref<512x64xf32, #tpu.memory_space<vmem>>, vector<512x64xf32>
    %sub3A = arith.subf %add3A_18, %get3A_21 : vector<512x64xf32>
    %mul3A = vector.broadcast %rsqrt3A : vector<512x1xf32> to vector<512x64xf32>
    %mul3A_22 = arith.mulf %sub3A, %mul3A : vector<512x64xf32>
    %get3A_23 = arith.constant 0 : index
    %get3A_24 = arith.constant 0 : index
    %get3A_25 = vector.load %arg4[%get3A_23, %get3A_24] : memref<64x128xf32, #tpu.memory_space<vmem>>, vector<64x128xf32>
    %dot_general3A = arith.constant dense<0.000000e+00> : vector<512x128xf32>
    %dot_general3A_26 = tpu.matmul %mul3A_22, %get3A_25, %dot_general3A {dimension_numbers = #tpu.dot_dimension_numbers<[1], [0], [0], [1], [0, 0, 1, 1], [], []>, transpose_lhs_hint = false} : vector<512x64xf32>, vector<64x128xf32>, vector<512x128xf32> -> vector<512x128xf32>
    %get3A_27 = arith.constant 0 : index
    %get3A_28 = arith.constant 0 : index
    %get3A_29 = vector.load %arg5[%get3A_27, %get3A_28] : memref<1x128xf32, #tpu.memory_space<vmem>>, vector<1x128xf32>
    %add3A_30 = vector.broadcast %get3A_29 : vector<1x128xf32> to vector<512x128xf32>
    %add3A_31 = arith.addf %dot_general3A_26, %add3A_30 : vector<512x128xf32>
    %iota3A = tpu.iota {dimensions = array<i32: 1>} : vector<512x128xi32>
    %lt3A = arith.constant 3 : i32
    %lt3A_32 = vector.broadcast %lt3A : i32 to vector<512x128xi32>
    %lt3A_33 = arith.cmpi slt, %iota3A, %lt3A_32 : vector<512x128xi32>
    %jit3A = arith.constant 0xFF800000 : f32
    %broadcast_in_dim3A = vector.broadcast %jit3A : f32 to vector<512x128xf32>
    %select_n3A = arith.select %lt3A_33, %add3A_31, %broadcast_in_dim3A : vector<512x128xi1>, vector<512x128xf32>
    %reduce_max3A = arith.constant dense<0xFF800000> : vector<512xf32>
    %reduce_max3A_34 = vector.multi_reduction <maximumf>, %select_n3A, %reduce_max3A [1] : vector<512x128xf32> to vector<512xf32>
    %broadcast_in_dim3A_35 = vector.shape_cast %reduce_max3A_34 : vector<512xf32> to vector<512x1xf32>
    %sub3A_36 = vector.broadcast %broadcast_in_dim3A_35 : vector<512x1xf32> to vector<512x128xf32>
    %sub3A_37 = arith.subf %select_n3A, %sub3A_36 : vector<512x128xf32>
    %exp3A = math.exp %sub3A_37 : vector<512x128xf32>
    %reduce_sum3A = arith.constant dense<0.000000e+00> : vector<512xf32>
    %reduce_sum3A_38 = vector.multi_reduction <add>, %exp3A, %reduce_sum3A [1] : vector<512x128xf32> to vector<512xf32>
    %broadcast_in_dim3A_39 = vector.shape_cast %reduce_sum3A_38 : vector<512xf32> to vector<512x1xf32>
    %log3A = math.log %broadcast_in_dim3A_39 : vector<512x1xf32>
    %add3A_40 = arith.addf %broadcast_in_dim3A_35, %log3A : vector<512x1xf32>
    %sub3A_41 = vector.broadcast %add3A_40 : vector<512x1xf32> to vector<512x128xf32>
    %sub3A_42 = arith.subf %add3A_31, %sub3A_41 : vector<512x128xf32>
    %swap3A = arith.constant 0 : index
    %swap3A_43 = arith.constant 0 : index
    %swap3A_44 = vector.load %arg6[%swap3A, %swap3A_43] : memref<512x128xf32, #tpu.memory_space<vmem>>, vector<512x128xf32>
    tpu.vector_store %arg6[%swap3A, %swap3A_43], %sub3A_42 {strides = array<i32>} : memref<512x128xf32, #tpu.memory_space<vmem>>, vector<512x128xf32>,
    return
  }
  func.func @transform_0(%arg0: i32) -> (i32, i32, i32) {
    %c0_i32 = arith.constant 0 : i32
    %c0_i32_0 = arith.constant 0 : i32
    %c0_i32_1 = arith.constant 0 : i32
    return %c0_i32, %arg0, %c0_i32_0 : i32, i32, i32
  }
  func.func @transform_1(%arg0: i32) -> (i32, i32) {
    %c0_i32 = arith.constant 0 : i32
    %c0_i32_0 = arith.constant 0 : i32
    return %arg0, %c0_i32 : i32, i32
  }
  func.func @transform_2(%arg0: i32) -> (i32, i32, i32) {
    %c0_i32 = arith.constant 0 : i32
    %c0_i32_0 = arith.constant 0 : i32
    %c0_i32_1 = arith.constant 0 : i32
    return %c0_i32, %arg0, %c0_i32_0 : i32, i32, i32
  }
  func.func @transform_3(%arg0: i32) -> (i32, i32) {
    %c0_i32 = arith.constant 0 : i32
    %c0_i32_0 = arith.constant 0 : i32
    %c0_i32_1 = arith.constant 0 : i32
    return %c0_i32, %c0_i32_0 : i32, i32
  }
  func.func @transform_4(%arg0: i32) -> (i32, i32) {
    %c0_i32 = arith.constant 0 : i32
    %c0_i32_0 = arith.constant 0 : i32
    %c0_i32_1 = arith.constant 0 : i32
    return %c0_i32, %c0_i32_0 : i32, i32
  }
  func.func @transform_5(%arg0: i32) -> (i32, i32) {
    %c0_i32 = arith.constant 0 : i32
    %c0_i32_0 = arith.constant 0 : i32
    return %arg0, %c0_i32 : i32, i32
  }
}

</mosaic_0001>

<sc_bundles>
// kernel: kernel.11.cloned.1.call-start
scs
__scs_entry_jumppad:
0x0: {  	(pc) =	sbr.rel $0x88, $3  }
0x1: {  	(tag) =	ssettag $0x0;
	lr =	simm.s32 $0x1  }
0x2: {  	[smem:$0x3F9B] =	sst lr;
	_ =	strace $0xD0000000  }
0x3: {  	_ = 	snop  }
0x4: {  	_ = 	snop  }
0x5: {  	_ = 	snop  }
0x6: {  	_ = 	snop  }
0x7: {  	_ = 	snop  }
__scs_overlays_trampoline_lowered:
0x8: {  	[smem:$0x3FAA] =	sst s0  }
0x9: {  	[smem:$0x3FAB] =	sst s1  }
0xa: {  	[smem:$0x3FAC] =	sst s2  }
0xb: {  	[smem:$0x3FAD] =	sst s3  }
0xc: {  	[smem:$0x3FAE] =	sst s4  }
0xd: {  	[smem:$0x3FAF] =	sst s5  }
0xe: {  	[smem:$0x3FB0] =	sst s6  }
0xf: {  	[smem:$0x3FB1] =	sst s7  }
0x10: {  	[smem:$0x3FB2] =	sst s8  }
0x11: {  	[smem:$0x3FB3] =	sst s9;
	s0 =	simm.s32 @!p0 $0x0  }
0x12: {  	s1 =	sld [smem:$0x3F99];
	s0 =	simm.s32 @p0 $0x1  }
0x13: {  	[smem:$0x3FB4] =	sst s0;
	s0 =	simm.s32 @!p1 $0x0  }
0x14: {  	s2 =	sld [smem:$0x3F98];
	s0 =	simm.s32 @p1 $0x1  }
0x15: {  	[smem:$0x3FB5] =	sst s0;
	s0 =	simm.s32 @!p2 $0x0  }
0x16: {  	s3 =	sld [smem:$0x3FDB];
	s0 =	simm.s32 @p2 $0x1  }
0x17: {  	s4 =	simm.s32 $0x1BF5;
	[smem:$0x3FB7] =	sst s0  }
0x18: {  	s0 =	sld [smem:$0x3F9A];
	_ =	swait.ge [sflag:s4], $0x0  }
0x19: {  	s7 =	sld [smem:$0x3F9B]  }
0x1a: {  	s8 =	sadd.s32 $0xFFFFE003, lr  }
0x1b: {  	s9 =	sadd.s32 $0xFFFFFEF7, lr;
	s5 =	simm.s32 $0xFFFFFFFF;
	p2 =	slt.u32 s8, $0xFFFFF086  }
0x1c: {  	p1 =	slt.u32 s9, $0xF7A;
	s5 =	simm.s32 @!p2 $0x0  }
0x1d: {  	s5 =	simm.s32 @p1 $0x1;
	p0 =	seq.s32 s7, s2  }
0x1e: {  	s7 =	smul.u32 @!p0 $0xF7A, s2;
	p2 =	seq.s32 @!p0 s5, $0x0  }
0x1f: {  	s9 =	smul.u32 $0xF7A, s1;
	s8 =	simm.s32 @!p0 $0x1BF5;
	p2 =	por !p2, p0  }
0x20: {  	[sflag:s8] =	ssyncset.s32 @!p0 $0xFFFFF086;
	s6 =	sadd.s32 @!p0 s3, s7;
	s7 =	simm.s32 @!p0 $0x108  }
0x21: {  	s3 =	sadd.s32 s3, s9;
	s6 =	sadd.s32 @!p0 $0x88, s6;
	s7 =	simm.s32 @p2 $0x1082  }
0x22: {  	[simem:s7], [sflag:s8] =	dma.local @!p0 [hbm:s6], $0xF7A  }
0x23: {  	s9 =	sor.u32 $0xD0000000, s2;
	s6 =	simm.s32 $0x108;
	_ =	swait.ge @!p0 [sflag:s8], $0x0  }
0x24: {  	s3 =	sadd.s32 $0x88, s3;
	s6 =	simm.s32 @!p1 $0x1082;
	[sflag:s4] =	ssyncset.s32 $0xFFFFF086  }
0x25: {  	[simem:s6], [sflag:s4] =	dma.local [hbm:s3], $0xF7A  }
0x26: {  	[smem:$0x3F9B] =	sst s1;
	(tag) =	ssettag s2;
	_ =	strace s9  }
0x27: {  	s1 =	sld [smem:$0x3FAB]  }
0x28: {  	s2 =	sld [smem:$0x3FAC]  }
0x29: {  	s4 =	sld [smem:$0x3FAE]  }
0x2a: {  	p0 =	seq.s32 s5, $0x0;
	s5 =	sld [smem:$0x3FAF]  }
0x2b: {  	s6 =	sld [smem:$0x3FB0]  }
0x2c: {  	s7 =	sld [smem:$0x3FB1]  }
0x2d: {  	s3 =	simm.s32 $0x108;
	s8 =	sld [smem:$0x3FB2]  }
0x2e: {  	s3 =	simm.s32 @!p0 $0x1082;
	s9 =	sld [smem:$0x3FB3]  }
0x2f: {  	lr =	sadd.s32 s0, s3;
	s0 =	sld [smem:$0x3FAA]  }
0x30: {  	s3 =	sld [smem:$0x3FAD]  }
0x31: {  	[smem:$0x3FB6] =	sst s10  }
0x32: {  	s10 =	sld [smem:$0x3FB4];
	_ =	sdelay $0x3  }
0x33: {  	p0 =	seq.s32 s10, $0x1;
	s10 =	sld [smem:$0x3FB6];
	_ =	sdelay $0x3  }
0x34: {  	[smem:$0x3FB6] =	sst s10  }
0x35: {  	s10 =	sld [smem:$0x3FB5];
	_ =	sdelay $0x3  }
0x36: {  	p1 =	seq.s32 s10, $0x1;
	s10 =	sld [smem:$0x3FB6];
	_ =	sdelay $0x3  }
0x37: {  	[smem:$0x3FB6] =	sst s10  }
0x38: {  	s10 =	sld [smem:$0x3FB7]  }
0x39: {  	_ = 	snop;
	(pc) =	sbr.ind lr, $3  }
0x3a: {  	_ = 	snop  }
0x3b: {  	_ = 	snop  }
0x3c: {  	p2 =	seq.s32 s10, $0x1;
	s10 =	sld [smem:$0x3FB6]  }
0x3d: {  	_ =	shalt  }
0x3e: {  	_ =	shalt  }
0x3f: {  	_ =	shalt  }
0x40: {  	_ =	shalt  }
0x41: {  	_ =	shalt  }
0x42: {  	_ =	shalt  }
0x43: {  	_ =	shalt  }
0x44: {  	_ =	shalt  }
0x45: {  	_ =	shalt  }
0x46: {  	_ =	shalt  }
0x47: {  	_ =	shalt  }
0x48: {  	_ =	shalt  }
0x49: {  	_ =	shalt  }
0x4a: {  	_ =	shalt  }
0x4b: {  	_ =	shalt  }
0x4c: {  	_ =	shalt  }
0x4d: {  	_ =	shalt  }
0x4e: {  	_ =	shalt  }
0x4f: {  	_ =	shalt  }
0x50: {  	_ =	shalt  }
0x51: {  	_ =	shalt  }
0x52: {  	_ =	shalt  }
0x53: {  	_ =	shalt  }
0x54: {  	_ =	shalt  }
0x55: {  	_ =	shalt  }
0x56: {  	_ =	shalt  }
0x57: {  	_ =	shalt  }
0x58: {  	_ =	shalt  }
0x59: {  	_ =	shalt  }
0x5a: {  	_ =	shalt  }
0x5b: {  	_ =	shalt  }
0x5c: {  	_ =	shalt  }
0x5d: {  	_ =	shalt  }
0x5e: {  	_ =	shalt  }
0x5f: {  	_ =	shalt  }
0x60: {  	_ =	shalt  }
0x61: {  	_ =	shalt  }
0x62: {  	_ =	shalt  }
0x63: {  	_ =	shalt  }
0x64: {  	_ =	shalt  }
0x65: {  	_ =	shalt  }
0x66: {  	_ =	shalt  }
0x67: {  	_ =	shalt  }
0x68: {  	_ =	shalt  }
0x69: {  	_ =	shalt  }
0x6a: {  	_ =	shalt  }
0x6b: {  	_ =	shalt  }
0x6c: {  	_ =	shalt  }
0x6d: {  	_ =	shalt  }
0x6e: {  	_ =	shalt  }
0x6f: {  	_ =	shalt  }
0x70: {  	_ =	shalt  }
0x71: {  	_ =	shalt  }
0x72: {  	_ =	shalt  }
0x73: {  	_ =	shalt  }
0x74: {  	_ =	shalt  }
0x75: {  	_ =	shalt  }
0x76: {  	_ =	shalt  }
0x77: {  	_ =	shalt  }
0x78: {  	_ =	shalt  }
0x79: {  	_ =	shalt  }
0x7a: {  	_ =	shalt  }
0x7b: {  	_ =	shalt  }
0x7c: {  	_ =	shalt  }
0x7d: {  	_ =	shalt  }
0x7e: {  	_ =	shalt  }
0x7f: {  	_ =	shalt  }
0x80: {  	_ =	shalt  }
0x81: {  	_ =	shalt  }
0x82: {  	_ =	shalt  }
0x83: {  	_ =	shalt  }
0x84: {  	_ =	shalt  }
0x85: {  	_ =	shalt  }
0x86: {  	_ =	shalt  }
0x87: {  	_ =	shalt  }
.Lfunc_end0:
.L_simem_size_0:
called_computation.1_lowered:
.L_overlay_start_0:
0x88: {  	s2 =	sld [smem:$0x3FD9]  }
0x89: {  	s3 =	sld [smem:$0x3FFE];
	_ =	sdelay $0x1  }
0x8a: {  	s1 =	srdreg.scid  }
0x8b: {  	s0 =	sand.u32 $0x1, s1  }
0x8c: {  	s16 =	sshll.u32 s0, $0xA;
	s2 =	sadd.s32 s3, s2  }
0x8d: {  	s2 =	sadd.s32 s2, s16  }
0x8e: {  	[smem:$0x3FC2] =	sst s2  }
0x8f: {  	_ = 	snop  }
0x90: {  	(tm) =	ssettm $0x1  }
0x91: {  	s17 =	sld [smem:$0x3FFB];
	_ =	sdelay $0x3  }
0x92: {  	_ =	strace s17  }
0x93: {  	s2 =	sld [smem:$0x3FFC];
	_ =	sdelay $0x3  }
0x94: {  	_ =	strace s2  }
0x95: {  	s2 =	sld [smem:$0x3FFD];
	_ =	sdelay $0x3  }
0x96: {  	_ =	strace s2  }
0x97: {  	_ =	strace $0x8FFFFFFF  }
0x98: {  	s18 =	sld [smem:$0x3FDB];
	_ =	sdelay $0x1  }
0x99: {  	s19 =	simm.s32 $_scs_section_size  }
0x9a: {  	s4 =	simm.s32 $_size__tile_overlayer_lowered;
	s5 =	simm.s32 $_tile_overlayer_lowered  }
0x9b: {  	s22 =	simm.s32 $0x1BFF;
	s21 =	sshll.u32 s5, $0x1;
	s2 =	sadd.s32 s19, s18  }
0x9c: {  	s6 =	simm.s32 $0x0;
	s20 =	sshll.u32 s4, $0x1;
	s4 =	sadd.s32 s21, s2  }
0x9d: {  	[timem:s6], [sflag:s22] =	dma.local [hbm:s4], s20  }
0x9e: {  	_ =	swait.ge [sflag:s22], s20  }
0x9f: {  	s3 =	ssub.s32 $0x0, s20;
	[sflag:s22] =	ssyncset.done $0x0  }
0xa0: {  	[sflag:s22] =	ssyncadd.s32 s3;
	_ =	sdelay $0x1  }
0xa1: {  	s23 =	simm.s32 $0x1B8B  }
0xa2: {  	_ =	swait.ge [sflag:s23], $0x1  }
0xa3: {  	[sflag:s23] =	ssyncset.done $0x0  }
0xa4: {  	s25 =	simm.s32 $0x1B8E;
	s24 =	sld [smem:$0x3FFE];
	[sflag:s23] =	ssyncadd.s32 $0xFFFFFFFF  }
0xa5: {  	s26 =	simm.s32 $execute0_lowered;
	[smem:$0x3FD2] =	sst s25  }
0xa6: {  	s4 =	sshll.u32 s26, $0x1;
	_ =	strace $0x80000049;
	[dreg:$0x1] =	wrdreg $0xFFFFFFFF  }
0xa7: {  	s28 =	simm.s32 $_size_execute0_lowered;
	s2 =	sadd.s32 s2, s4;
	[dreg:$0x0] =	wrdreg $0x0  }
0xa8: {  	s4 =	sshll.u32 s28, $0x1;
	[dreg:$0x2] =	wrdreg s2  }
0xa9: {  	[dreg:$0x3] =	wrdreg s4  }
0xaa: {  	[dreg:$0x4] =	wrdreg $0xC0  }
0xab: {  	_ =	task [dreg:s6], $0x5FFFF  }
0xac: {  	[dreg:$0x1] =	wrdreg $0xFFFFFFFF  }
0xad: {  	[dreg:$0x0] =	wrdreg $0x60  }
0xae: {  	[dreg:$0x2] =	wrdreg s24  }
0xaf: {  	[dreg:$0x3] =	wrdreg $0xB1000  }
0xb0: {  	[dreg:$0x4] =	wrdreg $0x151000  }
0xb1: {  	[dreg:$0x5] =	wrdreg $0x9  }
0xb2: {  	_ =	task.clear_ibuf [dreg:s6], $0x6FFFF;
	_ =	strace $0x90000049  }
0xb3: {  	s29 =	simm.s32 $0x9;
	_ =	strace $0x8000004B  }
0xb4: {  	_ =	swait.ge [sflag:s29], $0x1  }
0xb5: {  	[sflag:s29] =	ssyncadd.s32 $0xFFFFFFFF  }
0xb6: {  	_ =	strace $0x9000004B  }
0xb7: {  	_ =	sfence  }
0xb8: {  	s30 =	sld [smem:$0x0];
	_ =	sdelay $0x2  }
0xb9: {  	s31 =	sshll.u32 s1, $0xD;
	s1 =	sshrl.u32 s1, $0x2  }
0xba: {  	s3 =	sand.u32 $0x4000, s31;
	s1 =	sadd.s32 s1, s30  }
0xbb: {  	s0 =	sor.u32 s3, s0;
	s1 =	sshll.u32 s1, $0x11  }
0xbc: {  	s0 =	sor.u32 s1, s0  }
0xbd: {  	s0 =	sadd.s32 $0x8F2B, s0  }
0xbe: {  	[sflag:s0] =	ssyncadd.remote.s32 $0x1  }
0xbf: {  	_ =	sfence.sel $0xFFFF  }
0xc0: {  	[dreg:$0x0] =	wrdreg $0xFFFFFFFF;
	(pc) =	sbr.abs _section_cstart, $3  }
0xc1: {  	[dreg:$0x1] =	wrdreg $0xFFFFFFFF  }
0xc2: {  	_ =	task.clear_ibuf [dreg:s6], $0x2FFFF;
	_ =	strace $0x9FFFFFFF  }
0xc3: {  	(tm) =	ssettm $0x7FFFFFFF  }
tec
execute0_lowered:
.L_overlay_start_1:
0x0: {  	(tag) =	ssettag $0x1  }
0x1: {  	s5 =	rddreg [dreg:$0x0]  }
0x2: {  	s0 =	srdreg.scid;
	s2 =	rddreg [dreg:$0x1]  }
0x3: {  	s3 =	rddreg [dreg:$0x2];
	s4 =	simm.s32 $0x0;
	s14 =	simm.s32 $0x80  }
0x4: {  	s15 =	simm.s32 $0x5100;
	s16 =	simm.s32 $0x7100;
	s17 =	simm.s32 $0x100  }
0x5: {  	s18 =	simm.s32 $0x9100;
	s19 =	simm.s32 $0x1;
	s20 =	simm.s32 $0x2  }
0x6: {  	s21 =	simm.s32 $0x3;
	s22 =	simm.s32 $0x4F80;
	s23 =	simm.s32 $0x5000  }
0x7: {  	s26 =	simm.s32 $0x0;
	s6 =	sand.u32 $0x1, s0;
	s0 =	stileid.u32  }
0x8: {  	[smem:$0x7FF] =	sst s4;
	s1 =	sshll.u32 s6, $0x4;
	s8 =	smul.u32 $0xA000, s0  }
0x9: {  	s9 =	smul.u32 $0x14000, s6;
	s6 =	ssub.s32 $0x2, s6;
	s31 =	sshll.u32 s0, $0x6  }
0xa: {  	s7 =	sor.u32 s0, s1;
	s1 =	rddreg [dreg:$0x3];
	_ =	strace $0x8000004A  }
0xb: {  	s30 =	sshrl.u32 s6, $0x1;
	s7 =	smul.u32 $0x510, s7;
	s24 =	sshrl.u32 s8, $0x3  }
0xc: {  	s9 =	sadd.s32 s9, s5;
	s11 =	ssub.s32 s6, s30;
	s12 =	sadd.s32 s8, s2  }
0xd: {  	s13 =	sadd.s32 s8, s3;
	s10 =	sadd.s32 s24, s5;
	s25 =	sadd.s32 $0x88400, s9  }
0xe: {  	s8 =	smax.u32 s11, $0x1;
	s9 =	simm.s32 $0x4;
	s11 =	sor.u32 $0x1C04, s31  }
0xf: {  	s12 =	sshrl.u32 s12, $0x3;
	s13 =	sshrl.u32 s13, $0x3;
	s7 =	sadd.s32 s7, s5  }
0x10: {  	s24 =	sadd.s32 s24, s25;
	s25 =	simm.s32 $0x5080;
	s5 =	sadd.s32 $0x1A200, s7  }
0x11: {  	s6 =	sadd.s32 $0x1000, s7;
	s7 =	sadd.s32 $0x74400, s10;
	s10 =	simm.s32 $0x2880  }
.LBB2_1:
0x12: {  	[tilespmem:s4], [sflag:$0x4] =	stream.linear.gather [hbm4b:s5+s4], $0x2880, $0x38;
	[tilespmem:$0x1F100] =	vst v63  }
0x13: {  	_ =	swait.ge [sflag:s9], $0x2880  }
0x14: {  	[sflag:s9] =	ssyncset.done $0x0  }
0x15: {  	[sflag:s9] =	ssyncadd.s32 $0xFFFFD780  }
0x16: {  	[tilespmem:s10], [sflag:$0x4] =	stream.linear.gather [hbm4b:s6+s4], $0x2880, $0x38;
	[tilespmem:$0x1F100] =	vst v63  }
0x17: {  	_ =	swait.ge [sflag:s9], $0x2880  }
0x18: {  	[sflag:s9] =	ssyncset.done $0x0  }
0x19: {  	[sflag:s9] =	ssyncadd.s32 $0xFFFFD780  }
0x1a: {  	[spmem:s12], [sflag:s11] =	dma.local [hbm:s7], $0x1400  }
0x1b: {  	_ =	swait.ge [sflag:s9], $0x1400  }
0x1c: {  	[sflag:s9] =	ssyncset.done $0x0  }
0x1d: {  	[sflag:s9] =	ssyncadd.s32 $0xFFFFEC00  }
0x1e: {  	[spmem:s13], [sflag:s11] =	dma.local [hbm:s7], $0x1400  }
0x1f: {  	_ =	swait.ge [sflag:s9], $0x1400  }
0x20: {  	[sflag:s9] =	ssyncset.done $0x0  }
0x21: {  	[sflag:s9] =	ssyncadd.s32 $0xFFFFEC00  }
0x22: {  	[bflag:$0x0] =	sbarrier.arrive $0xFFFF  }
0x23: {  	[tilespmem:s15], [sflag:$0x1] =	stream.indirect.gather [spmem:s2], $0x40, s4, s14, $0xb8;
	[tilespmem:$0x1F100] =	vst v63  }
0x24: {  	_ = 	snop  }
0x25: {  	[tilespmem:s16], [sflag:$0x2] =	stream.indirect.gather [spmem:s2], $0x40, s14, s14, $0xb8;
	[tilespmem:$0x1F100] =	vst v63  }
0x26: {  	_ = 	snop  }
0x27: {  	[tilespmem:s18], [sflag:$0x3] =	stream.indirect.gather [spmem:s2], $0x40, s17, s14, $0xb8;
	[tilespmem:$0x1F100] =	vst v63  }
0x28: {  	_ =	swait.ge [sflag:s19], $0x2000  }
0x29: {  	[sflag:s19] =	ssyncset.done $0x0  }
0x2a: {  	s28 =	simm.s32 $0x2880;
	[sflag:s19] =	ssyncadd.s32 $0xFFFFE000  }
0x2b: {  	[spmem:s3] =	stream.indirect.scatter.add.f32 [tilespmem:s15], [sflag:$0x4], $0x40, s28, s14, $0xb8;
	[tilespmem:$0x1F100] =	vst v63  }
0x2c: {  	_ =	swait.ge [sflag:s9], $0x2000  }
0x2d: {  	[sflag:s9] =	ssyncset.done $0x0  }
0x2e: {  	s28 =	simm.s32 $0x180;
	[sflag:s9] =	ssyncadd.s32 $0xFFFFE000  }
0x2f: {  	[tilespmem:s15], [sflag:$0x1] =	stream.indirect.gather [spmem:s2], $0x40, s28, s14, $0xb8;
	[tilespmem:$0x1F100] =	vst v63  }
0x30: {  	_ =	swait.ge [sflag:s20], $0x2000  }
0x31: {  	[sflag:s20] =	ssyncset.done $0x0  }
0x32: {  	s28 =	simm.s32 $0x2900;
	[sflag:s20] =	ssyncadd.s32 $0xFFFFE000  }
0x33: {  	[spmem:s3] =	stream.indirect.scatter.add.f32 [tilespmem:s16], [sflag:$0x4], $0x40, s28, s14, $0xb8;
	[tilespmem:$0x1F100] =	vst v63  }
0x34: {  	_ =	swait.ge [sflag:s9], $0x2000  }
0x35: {  	[sflag:s9] =	ssyncset.done $0x0  }
0x36: {  	s28 =	simm.s32 $0x200;
	[sflag:s9] =	ssyncadd.s32 $0xFFFFE000  }
0x37: {  	[tilespmem:s16], [sflag:$0x2] =	stream.indirect.gather [spmem:s2], $0x40, s28, s14, $0xb8;
	[tilespmem:$0x1F100] =	vst v63  }
0x38: {  	_ =	swait.ge [sflag:s21], $0x2000  }
0x39: {  	[sflag:s21] =	ssyncset.done $0x0  }
0x3a: {  	s28 =	simm.s32 $0x2980;
	[sflag:s21] =	ssyncadd.s32 $0xFFFFE000  }
0x3b: {  	[spmem:s3] =	stream.indirect.scatter.add.f32 [tilespmem:s18], [sflag:$0x4], $0x40, s28, s14, $0xb8;
	[tilespmem:$0x1F100] =	vst v63  }
0x3c: {  	_ =	swait.ge [sflag:s9], $0x2000  }
0x3d: {  	[sflag:s9] =	ssyncset.done $0x0  }
0x3e: {  	s29 =	simm.s32 $0x280;
	s28 =	simm.s32 $0x600;
	[sflag:s9] =	ssyncadd.s32 $0xFFFFE000  }
.LBB2_2:
0x3f: {  	[tilespmem:s18], [sflag:$0x3] =	stream.indirect.gather [spmem:s2], $0x40, s29, s14, $0xb8;
	[tilespmem:$0x1F100] =	vst v63  }
0x40: {  	s29 =	smov.u32 s28  }
0x41: {  	p0 =	sne.s32 s28, $0x9600;
	s28 =	sadd.s32 $0x600, s28;
	_ =	swait.ge [sflag:s19], $0x2000  }
0x42: {  	s29 =	sshra.s32 s29, $0x2;
	[sflag:s19] =	ssyncset.done $0x0  }
0x43: {  	s30 =	sadd.s32 $0x2880, s29;
	[sflag:s19] =	ssyncadd.s32 $0xFFFFE000  }
0x44: {  	[spmem:s3] =	stream.indirect.scatter.add.f32 [tilespmem:s15], [sflag:$0x4], $0x40, s30, s14, $0xb8;
	[tilespmem:$0x1F100] =	vst v63  }
0x45: {  	_ =	swait.ge [sflag:s9], $0x2000  }
0x46: {  	[sflag:s9] =	ssyncset.done $0x0  }
0x47: {  	s30 =	sadd.s32 $0x180, s29;
	[sflag:s9] =	ssyncadd.s32 $0xFFFFE000  }
0x48: {  	[tilespmem:s15], [sflag:$0x1] =	stream.indirect.gather [spmem:s2], $0x40, s30, s14, $0xb8;
	[tilespmem:$0x1F100] =	vst v63  }
0x49: {  	_ =	swait.ge [sflag:s20], $0x2000  }
0x4a: {  	[sflag:s20] =	ssyncset.done $0x0  }
0x4b: {  	s30 =	sadd.s32 $0x2900, s29;
	[sflag:s20] =	ssyncadd.s32 $0xFFFFE000  }
0x4c: {  	[spmem:s3] =	stream.indirect.scatter.add.f32 [tilespmem:s16], [sflag:$0x4], $0x40, s30, s14, $0xb8;
	[tilespmem:$0x1F100] =	vst v63  }
0x4d: {  	_ =	swait.ge [sflag:s9], $0x2000  }
0x4e: {  	[sflag:s9] =	ssyncset.done $0x0  }
0x4f: {  	s30 =	sadd.s32 $0x200, s29;
	[sflag:s9] =	ssyncadd.s32 $0xFFFFE000  }
0x50: {  	[tilespmem:s16], [sflag:$0x2] =	stream.indirect.gather [spmem:s2], $0x40, s30, s14, $0xb8;
	[tilespmem:$0x1F100] =	vst v63  }
0x51: {  	_ =	swait.ge [sflag:s21], $0x2000  }
0x52: {  	[sflag:s21] =	ssyncset.done $0x0  }
.Ltmp0:
0x53: {  	s30 =	sadd.s32 $0x2980, s29;
	[sflag:s21] =	ssyncadd.s32 $0xFFFFE000;
	(pc) =	sbr.rel @p0 .LBB2_2-.Ltmp0, $4  }
0x54: {  	[spmem:s3] =	stream.indirect.scatter.add.f32 [tilespmem:s18], [sflag:$0x4], $0x40, s30, s14, $0xb8;
	[tilespmem:$0x1F100] =	vst v63  }
0x55: {  	_ =	swait.ge [sflag:s9], $0x2000  }
0x56: {  	[sflag:s9] =	ssyncset.done $0x0  }
0x57: {  	s29 =	sadd.s32 $0x280, s29;
	[sflag:s9] =	ssyncadd.s32 $0xFFFFE000  }
0x58: {  	[tilespmem:s18], [sflag:$0x3] =	stream.indirect.gather [spmem:s2], $0x40, s29, s14, $0xb8;
	[tilespmem:$0x1F100] =	vst v63  }
0x59: {  	_ =	swait.ge [sflag:s19], $0x2000  }
0x5a: {  	[sflag:s19] =	ssyncset.done $0x0  }
0x5b: {  	[sflag:s19] =	ssyncadd.s32 $0xFFFFE000  }
0x5c: {  	[spmem:s3] =	stream.indirect.scatter.add.f32 [tilespmem:s15], [sflag:$0x4], $0x40, s22, s14, $0xb8;
	[tilespmem:$0x1F100] =	vst v63  }
0x5d: {  	_ =	swait.ge [sflag:s9], $0x2000  }
0x5e: {  	[sflag:s9] =	ssyncset.done $0x0  }
0x5f: {  	[sflag:s9] =	ssyncadd.s32 $0xFFFFE000  }
0x60: {  	_ =	swait.ge [sflag:s20], $0x2000  }
0x61: {  	[sflag:s20] =	ssyncset.done $0x0  }
0x62: {  	[sflag:s20] =	ssyncadd.s32 $0xFFFFE000  }
0x63: {  	[spmem:s3] =	stream.indirect.scatter.add.f32 [tilespmem:s16], [sflag:$0x4], $0x40, s23, s14, $0xb8;
	[tilespmem:$0x1F100] =	vst v63  }
0x64: {  	_ =	swait.ge [sflag:s9], $0x2000  }
0x65: {  	[sflag:s9] =	ssyncset.done $0x0  }
0x66: {  	[sflag:s9] =	ssyncadd.s32 $0xFFFFE000  }
0x67: {  	_ =	swait.ge [sflag:s21], $0x2000  }
0x68: {  	[sflag:s21] =	ssyncset.done $0x0  }
0x69: {  	[sflag:s21] =	ssyncadd.s32 $0xFFFFE000  }
0x6a: {  	[spmem:s3] =	stream.indirect.scatter.add.f32 [tilespmem:s18], [sflag:$0x4], $0x40, s25, s14, $0xb8;
	[tilespmem:$0x1F100] =	vst v63  }
0x6b: {  	_ =	swait.ge [sflag:s9], $0x2000  }
0x6c: {  	s26 =	sadd.s32 $0x1, s26;
	[sflag:s9] =	ssyncset.done $0x0  }
0x6d: {  	p0 =	sne.s32 s26, s8;
	[sflag:s9] =	ssyncadd.s32 $0xFFFFE000  }
.Ltmp1:
0x6e: {  	[bflag:$0x0] =	sbarrier.arrive $0xFFFF;
	(pc) =	sbr.rel @p0 .LBB2_1-.Ltmp1, $4  }
0x6f: {  	[hbm:s24], [sflag:s11] =	dma.local [spmem:s13], $0x1400  }
0x70: {  	_ =	swait.ge [sflag:s9], $0x1400  }
0x71: {  	[sflag:s9] =	ssyncset.done $0x0  }
0x72: {  	[sflag:s9] =	ssyncadd.s32 $0xFFFFEC00  }
0x73: {  	_ =	sfence.sel $0x180000  }
0x74: {  	[bflag:$0x0] =	sbarrier.arrive $0xFFFF  }
0x75: {  	p0 =	sne.s32 s0, $0x0;
	_ =	strace $0x9000004A  }
0x76: {  	s0 =	sadd.s32 @!p0 $0x100000, s1;
	[bflag:$0x2] =	sbarrier.arrive $0xFFFF  }
0x77: {  	[sflag:s0] =	ssyncadd.tile.s32 @!p0 $0x1;
	_ =	shalt  }
.Lfunc_end2:
_tile_overlayer_lowered:
.L_overlay_start_2:
0x78: {  	(tag) =	ssettag $0x2  }
0x79: {  	s0 =	rddreg [dreg:$0x0];
	s2 =	stileid.u32  }
0x7a: {  	s1 =	rddreg [dreg:$0x1];
	p0 =	sne.s32 s2, $0x0  }
0x7b: {  	s3 =	rddreg [dreg:$0x2];
	[bflag:$0x3] =	sbarrier.arrive $0xFFFF;
	s2 =	simm.s32 @!p0 $0x1C04  }
0x7c: {  	[timem:s3], [sflag:s2] =	dma.local @!p0 [hbm:s0], s1  }
0x7d: {  	s0 =	simm.s32 @!p0 $0x4  }
0x7e: {  	_ =	swait.ge @!p0 [sflag:s0], s1  }
0x7f: {  	s1 =	ssub.s32 @!p0 $0x0, s1;
	[sflag:s0] =	ssyncset.done @!p0 $0x0  }
0x80: {  	[sflag:s0] =	ssyncadd.s32 @!p0 s1  }
0x81: {  	[bflag:$0x3] =	sbarrier.arrive $0xFFFF  }
0x82: {  	_ =	shalt  }

// kernel: kernel.14.cloned.1.call-start
scs
__scs_entry_jumppad:
0x0: {  	(pc) =	sbr.rel $0x88, $3  }
0x1: {  	(tag) =	ssettag $0x0;
	lr =	simm.s32 $0x1  }
0x2: {  	[smem:$0x3F9B] =	sst lr;
	_ =	strace $0xD0000000  }
0x3: {  	_ = 	snop  }
0x4: {  	_ = 	snop  }
0x5: {  	_ = 	snop  }
0x6: {  	_ = 	snop  }
0x7: {  	_ = 	snop  }
__scs_overlays_trampoline_lowered:
0x8: {  	[smem:$0x3FAA] =	sst s0  }
0x9: {  	[smem:$0x3FAB] =	sst s1  }
0xa: {  	[smem:$0x3FAC] =	sst s2  }
0xb: {  	[smem:$0x3FAD] =	sst s3  }
0xc: {  	[smem:$0x3FAE] =	sst s4  }
0xd: {  	[smem:$0x3FAF] =	sst s5  }
0xe: {  	[smem:$0x3FB0] =	sst s6  }
0xf: {  	[smem:$0x3FB1] =	sst s7  }
0x10: {  	[smem:$0x3FB2] =	sst s8  }
0x11: {  	[smem:$0x3FB3] =	sst s9;
	s0 =	simm.s32 @!p0 $0x0  }
0x12: {  	s1 =	sld [smem:$0x3F99];
	s0 =	simm.s32 @p0 $0x1  }
0x13: {  	[smem:$0x3FB4] =	sst s0;
	s0 =	simm.s32 @!p1 $0x0  }
0x14: {  	s2 =	sld [smem:$0x3F98];
	s0 =	simm.s32 @p1 $0x1  }
0x15: {  	[smem:$0x3FB5] =	sst s0;
	s0 =	simm.s32 @!p2 $0x0  }
0x16: {  	s3 =	sld [smem:$0x3FDB];
	s0 =	simm.s32 @p2 $0x1  }
0x17: {  	s4 =	simm.s32 $0x1BF5;
	[smem:$0x3FB7] =	sst s0  }
0x18: {  	s0 =	sld [smem:$0x3F9A];
	_ =	swait.ge [sflag:s4], $0x0  }
0x19: {  	s7 =	sld [smem:$0x3F9B]  }
0x1a: {  	s8 =	sadd.s32 $0xFFFFE003, lr  }
0x1b: {  	s9 =	sadd.s32 $0xFFFFFEF7, lr;
	s5 =	simm.s32 $0xFFFFFFFF;
	p2 =	slt.u32 s8, $0xFFFFF086  }
0x1c: {  	p1 =	slt.u32 s9, $0xF7A;
	s5 =	simm.s32 @!p2 $0x0  }
0x1d: {  	s5 =	simm.s32 @p1 $0x1;
	p0 =	seq.s32 s7, s2  }
0x1e: {  	s7 =	smul.u32 @!p0 $0xF7A, s2;
	p2 =	seq.s32 @!p0 s5, $0x0  }
0x1f: {  	s9 =	smul.u32 $0xF7A, s1;
	s8 =	simm.s32 @!p0 $0x1BF5;
	p2 =	por !p2, p0  }
0x20: {  	[sflag:s8] =	ssyncset.s32 @!p0 $0xFFFFF086;
	s6 =	sadd.s32 @!p0 s3, s7;
	s7 =	simm.s32 @!p0 $0x108  }
0x21: {  	s3 =	sadd.s32 s3, s9;
	s6 =	sadd.s32 @!p0 $0x88, s6;
	s7 =	simm.s32 @p2 $0x1082  }
0x22: {  	[simem:s7], [sflag:s8] =	dma.local @!p0 [hbm:s6], $0xF7A  }
0x23: {  	s9 =	sor.u32 $0xD0000000, s2;
	s6 =	simm.s32 $0x108;
	_ =	swait.ge @!p0 [sflag:s8], $0x0  }
0x24: {  	s3 =	sadd.s32 $0x88, s3;
	s6 =	simm.s32 @!p1 $0x1082;
	[sflag:s4] =	ssyncset.s32 $0xFFFFF086  }
0x25: {  	[simem:s6], [sflag:s4] =	dma.local [hbm:s3], $0xF7A  }
0x26: {  	[smem:$0x3F9B] =	sst s1;
	(tag) =	ssettag s2;
	_ =	strace s9  }
0x27: {  	s1 =	sld [smem:$0x3FAB]  }
0x28: {  	s2 =	sld [smem:$0x3FAC]  }
0x29: {  	s4 =	sld [smem:$0x3FAE]  }
0x2a: {  	p0 =	seq.s32 s5, $0x0;
	s5 =	sld [smem:$0x3FAF]  }
0x2b: {  	s6 =	sld [smem:$0x3FB0]  }
0x2c: {  	s7 =	sld [smem:$0x3FB1]  }
0x2d: {  	s3 =	simm.s32 $0x108;
	s8 =	sld [smem:$0x3FB2]  }
0x2e: {  	s3 =	simm.s32 @!p0 $0x1082;
	s9 =	sld [smem:$0x3FB3]  }
0x2f: {  	lr =	sadd.s32 s0, s3;
	s0 =	sld [smem:$0x3FAA]  }
0x30: {  	s3 =	sld [smem:$0x3FAD]  }
0x31: {  	[smem:$0x3FB6] =	sst s10  }
0x32: {  	s10 =	sld [smem:$0x3FB4];
	_ =	sdelay $0x3  }
0x33: {  	p0 =	seq.s32 s10, $0x1;
	s10 =	sld [smem:$0x3FB6];
	_ =	sdelay $0x3  }
0x34: {  	[smem:$0x3FB6] =	sst s10  }
0x35: {  	s10 =	sld [smem:$0x3FB5];
	_ =	sdelay $0x3  }
0x36: {  	p1 =	seq.s32 s10, $0x1;
	s10 =	sld [smem:$0x3FB6];
	_ =	sdelay $0x3  }
0x37: {  	[smem:$0x3FB6] =	sst s10  }
0x38: {  	s10 =	sld [smem:$0x3FB7]  }
0x39: {  	_ = 	snop;
	(pc) =	sbr.ind lr, $3  }
0x3a: {  	_ = 	snop  }
0x3b: {  	_ = 	snop  }
0x3c: {  	p2 =	seq.s32 s10, $0x1;
	s10 =	sld [smem:$0x3FB6]  }
0x3d: {  	_ =	shalt  }
0x3e: {  	_ =	shalt  }
0x3f: {  	_ =	shalt  }
0x40: {  	_ =	shalt  }
0x41: {  	_ =	shalt  }
0x42: {  	_ =	shalt  }
0x43: {  	_ =	shalt  }
0x44: {  	_ =	shalt  }
0x45: {  	_ =	shalt  }
0x46: {  	_ =	shalt  }
0x47: {  	_ =	shalt  }
0x48: {  	_ =	shalt  }
0x49: {  	_ =	shalt  }
0x4a: {  	_ =	shalt  }
0x4b: {  	_ =	shalt  }
0x4c: {  	_ =	shalt  }
0x4d: {  	_ =	shalt  }
0x4e: {  	_ =	shalt  }
0x4f: {  	_ =	shalt  }
0x50: {  	_ =	shalt  }
0x51: {  	_ =	shalt  }
0x52: {  	_ =	shalt  }
0x53: {  	_ =	shalt  }
0x54: {  	_ =	shalt  }
0x55: {  	_ =	shalt  }
0x56: {  	_ =	shalt  }
0x57: {  	_ =	shalt  }
0x58: {  	_ =	shalt  }
0x59: {  	_ =	shalt  }
0x5a: {  	_ =	shalt  }
0x5b: {  	_ =	shalt  }
0x5c: {  	_ =	shalt  }
0x5d: {  	_ =	shalt  }
0x5e: {  	_ =	shalt  }
0x5f: {  	_ =	shalt  }
0x60: {  	_ =	shalt  }
0x61: {  	_ =	shalt  }
0x62: {  	_ =	shalt  }
0x63: {  	_ =	shalt  }
0x64: {  	_ =	shalt  }
0x65: {  	_ =	shalt  }
0x66: {  	_ =	shalt  }
0x67: {  	_ =	shalt  }
0x68: {  	_ =	shalt  }
0x69: {  	_ =	shalt  }
0x6a: {  	_ =	shalt  }
0x6b: {  	_ =	shalt  }
0x6c: {  	_ =	shalt  }
0x6d: {  	_ =	shalt  }
0x6e: {  	_ =	shalt  }
0x6f: {  	_ =	shalt  }
0x70: {  	_ =	shalt  }
0x71: {  	_ =	shalt  }
0x72: {  	_ =	shalt  }
0x73: {  	_ =	shalt  }
0x74: {  	_ =	shalt  }
0x75: {  	_ =	shalt  }
0x76: {  	_ =	shalt  }
0x77: {  	_ =	shalt  }
0x78: {  	_ =	shalt  }
0x79: {  	_ =	shalt  }
0x7a: {  	_ =	shalt  }
0x7b: {  	_ =	shalt  }
0x7c: {  	_ =	shalt  }
0x7d: {  	_ =	shalt  }
0x7e: {  	_ =	shalt  }
0x7f: {  	_ =	shalt  }
0x80: {  	_ =	shalt  }
0x81: {  	_ =	shalt  }
0x82: {  	_ =	shalt  }
0x83: {  	_ =	shalt  }
0x84: {  	_ =	shalt  }
0x85: {  	_ =	shalt  }
0x86: {  	_ =	shalt  }
0x87: {  	_ =	shalt  }
.Lfunc_end0:
.L_simem_size_0:
called_computation.2_lowered:
.L_overlay_start_0:
0x88: {  	s2 =	sld [smem:$0x3FD9]  }
0x89: {  	s3 =	sld [smem:$0x3FFE];
	_ =	sdelay $0x1  }
0x8a: {  	s1 =	srdreg.scid  }
0x8b: {  	s0 =	sand.u32 $0x1, s1  }
0x8c: {  	s16 =	sshll.u32 s0, $0xA;
	s2 =	sadd.s32 s3, s2  }
0x8d: {  	s2 =	sadd.s32 s2, s16  }
0x8e: {  	[smem:$0x3FC2] =	sst s2  }
0x8f: {  	_ = 	snop  }
0x90: {  	(tm) =	ssettm $0x1  }
0x91: {  	s17 =	sld [smem:$0x3FFB];
	_ =	sdelay $0x3  }
0x92: {  	_ =	strace s17  }
0x93: {  	s2 =	sld [smem:$0x3FFC];
	_ =	sdelay $0x3  }
0x94: {  	_ =	strace s2  }
0x95: {  	s2 =	sld [smem:$0x3FFD];
	_ =	sdelay $0x3  }
0x96: {  	_ =	strace s2  }
0x97: {  	_ =	strace $0x8FFFFFFF  }
0x98: {  	s18 =	sld [smem:$0x3FDB];
	_ =	sdelay $0x1  }
0x99: {  	s19 =	simm.s32 $_scs_section_size  }
0x9a: {  	s4 =	simm.s32 $_size__tile_overlayer_lowered;
	s5 =	simm.s32 $_tile_overlayer_lowered  }
0x9b: {  	s22 =	simm.s32 $0x1BFF;
	s21 =	sshll.u32 s5, $0x1;
	s2 =	sadd.s32 s19, s18  }
0x9c: {  	s6 =	simm.s32 $0x0;
	s20 =	sshll.u32 s4, $0x1;
	s4 =	sadd.s32 s21, s2  }
0x9d: {  	[timem:s6], [sflag:s22] =	dma.local [hbm:s4], s20  }
0x9e: {  	_ =	swait.ge [sflag:s22], s20  }
0x9f: {  	s3 =	ssub.s32 $0x0, s20;
	[sflag:s22] =	ssyncset.done $0x0  }
0xa0: {  	[sflag:s22] =	ssyncadd.s32 s3;
	_ =	sdelay $0x1  }
0xa1: {  	s23 =	simm.s32 $0x1B8B  }
0xa2: {  	_ =	swait.ge [sflag:s23], $0x1  }
0xa3: {  	[sflag:s23] =	ssyncset.done $0x0  }
0xa4: {  	s25 =	simm.s32 $0x1B8E;
	s24 =	sld [smem:$0x3FFE];
	[sflag:s23] =	ssyncadd.s32 $0xFFFFFFFF  }
0xa5: {  	s26 =	simm.s32 $execute0_lowered;
	[smem:$0x3FD2] =	sst s25  }
0xa6: {  	s4 =	sshll.u32 s26, $0x1;
	_ =	strace $0x8000004C;
	[dreg:$0x1] =	wrdreg $0xFFFFFFFF  }
0xa7: {  	s28 =	simm.s32 $_size_execute0_lowered;
	s2 =	sadd.s32 s2, s4;
	[dreg:$0x0] =	wrdreg $0x0  }
0xa8: {  	s4 =	sshll.u32 s28, $0x1;
	[dreg:$0x2] =	wrdreg s2  }
0xa9: {  	[dreg:$0x3] =	wrdreg s4  }
0xaa: {  	[dreg:$0x4] =	wrdreg $0xC0  }
0xab: {  	_ =	task [dreg:s6], $0x5FFFF  }
0xac: {  	[dreg:$0x1] =	wrdreg $0xFFFFFFFF  }
0xad: {  	[dreg:$0x0] =	wrdreg $0x60  }
0xae: {  	[dreg:$0x2] =	wrdreg s24  }
0xaf: {  	[dreg:$0x3] =	wrdreg $0xB1000  }
0xb0: {  	[dreg:$0x4] =	wrdreg $0x151000  }
0xb1: {  	[dreg:$0x5] =	wrdreg $0x9  }
0xb2: {  	_ =	task.clear_ibuf [dreg:s6], $0x6FFFF;
	_ =	strace $0x9000004C  }
0xb3: {  	s29 =	simm.s32 $0x9;
	_ =	strace $0x8000004E  }
0xb4: {  	_ =	swait.ge [sflag:s29], $0x1  }
0xb5: {  	[sflag:s29] =	ssyncadd.s32 $0xFFFFFFFF  }
0xb6: {  	_ =	strace $0x9000004E  }
0xb7: {  	_ =	sfence  }
0xb8: {  	s30 =	sld [smem:$0x0];
	_ =	sdelay $0x2  }
0xb9: {  	s31 =	sshll.u32 s1, $0xD;
	s1 =	sshrl.u32 s1, $0x2  }
0xba: {  	s3 =	sand.u32 $0x4000, s31;
	s1 =	sadd.s32 s1, s30  }
0xbb: {  	s0 =	sor.u32 s3, s0;
	s1 =	sshll.u32 s1, $0x11  }
0xbc: {  	s0 =	sor.u32 s1, s0  }
0xbd: {  	s0 =	sadd.s32 $0x8F2B, s0  }
0xbe: {  	[sflag:s0] =	ssyncadd.remote.s32 $0x1  }
0xbf: {  	_ =	sfence.sel $0xFFFF  }
0xc0: {  	[dreg:$0x0] =	wrdreg $0xFFFFFFFF;
	(pc) =	sbr.abs _section_cstart, $3  }
0xc1: {  	[dreg:$0x1] =	wrdreg $0xFFFFFFFF  }
0xc2: {  	_ =	task.clear_ibuf [dreg:s6], $0x2FFFF;
	_ =	strace $0x9FFFFFFF  }
0xc3: {  	(tm) =	ssettm $0x7FFFFFFF  }
tec
execute0_lowered:
.L_overlay_start_1:
0x0: {  	(tag) =	ssettag $0x1  }
0x1: {  	s5 =	rddreg [dreg:$0x0]  }
0x2: {  	s0 =	srdreg.scid;
	s2 =	rddreg [dreg:$0x1]  }
0x3: {  	s3 =	rddreg [dreg:$0x2];
	s4 =	simm.s32 $0x0;
	s14 =	simm.s32 $0x80  }
0x4: {  	s15 =	simm.s32 $0x5100;
	s16 =	simm.s32 $0x7100;
	s17 =	simm.s32 $0x100  }
0x5: {  	s18 =	simm.s32 $0x9100;
	s19 =	simm.s32 $0x1;
	s20 =	simm.s32 $0x2  }
0x6: {  	s21 =	simm.s32 $0x3;
	s22 =	simm.s32 $0x4F80;
	s23 =	simm.s32 $0x5000  }
0x7: {  	s26 =	simm.s32 $0x0;
	s6 =	sand.u32 $0x1, s0;
	s0 =	stileid.u32  }
0x8: {  	[smem:$0x7FF] =	sst s4;
	s1 =	sshll.u32 s6, $0x4;
	s8 =	smul.u32 $0xA000, s0  }
0x9: {  	s9 =	smul.u32 $0x14000, s6;
	s6 =	ssub.s32 $0x2, s6;
	s31 =	sshll.u32 s0, $0x6  }
0xa: {  	s7 =	sor.u32 s0, s1;
	s1 =	rddreg [dreg:$0x3];
	_ =	strace $0x8000004D  }
0xb: {  	s30 =	sshrl.u32 s6, $0x1;
	s7 =	smul.u32 $0x510, s7;
	s24 =	sshrl.u32 s8, $0x3  }
0xc: {  	s9 =	sadd.s32 s9, s5;
	s11 =	ssub.s32 s6, s30;
	s12 =	sadd.s32 s8, s2  }
0xd: {  	s13 =	sadd.s32 s8, s3;
	s10 =	sadd.s32 s24, s5;
	s25 =	sadd.s32 $0x88400, s9  }
0xe: {  	s8 =	smax.u32 s11, $0x1;
	s9 =	simm.s32 $0x4;
	s11 =	sor.u32 $0x1C04, s31  }
0xf: {  	s12 =	sshrl.u32 s12, $0x3;
	s13 =	sshrl.u32 s13, $0x3;
	s7 =	sadd.s32 s7, s5  }
0x10: {  	s24 =	sadd.s32 s24, s25;
	s25 =	simm.s32 $0x5080;
	s5 =	sadd.s32 $0x1A200, s7  }
0x11: {  	s6 =	sadd.s32 $0x1000, s7;
	s7 =	sadd.s32 $0x74400, s10;
	s10 =	simm.s32 $0x2880  }
.LBB2_1:
0x12: {  	[tilespmem:s4], [sflag:$0x4] =	stream.linear.gather [hbm4b:s5+s4], $0x2880, $0x38;
	[tilespmem:$0x1F100] =	vst v63  }
0x13: {  	_ =	swait.ge [sflag:s9], $0x2880  }
0x14: {  	[sflag:s9] =	ssyncset.done $0x0  }
0x15: {  	[sflag:s9] =	ssyncadd.s32 $0xFFFFD780  }
0x16: {  	[tilespmem:s10], [sflag:$0x4] =	stream.linear.gather [hbm4b:s6+s4], $0x2880, $0x38;
	[tilespmem:$0x1F100] =	vst v63  }
0x17: {  	_ =	swait.ge [sflag:s9], $0x2880  }
0x18: {  	[sflag:s9] =	ssyncset.done $0x0  }
0x19: {  	[sflag:s9] =	ssyncadd.s32 $0xFFFFD780  }
0x1a: {  	[spmem:s12], [sflag:s11] =	dma.local [hbm:s7], $0x1400  }
0x1b: {  	_ =	swait.ge [sflag:s9], $0x1400  }
0x1c: {  	[sflag:s9] =	ssyncset.done $0x0  }
0x1d: {  	[sflag:s9] =	ssyncadd.s32 $0xFFFFEC00  }
0x1e: {  	[spmem:s13], [sflag:s11] =	dma.local [hbm:s7], $0x1400  }
0x1f: {  	_ =	swait.ge [sflag:s9], $0x1400  }
0x20: {  	[sflag:s9] =	ssyncset.done $0x0  }
0x21: {  	[sflag:s9] =	ssyncadd.s32 $0xFFFFEC00  }
0x22: {  	[bflag:$0x0] =	sbarrier.arrive $0xFFFF  }
0x23: {  	[tilespmem:s15], [sflag:$0x1] =	stream.indirect.gather [spmem:s2], $0x40, s4, s14, $0xb8;
	[tilespmem:$0x1F100] =	vst v63  }
0x24: {  	_ = 	snop  }
0x25: {  	[tilespmem:s16], [sflag:$0x2] =	stream.indirect.gather [spmem:s2], $0x40, s14, s14, $0xb8;
	[tilespmem:$0x1F100] =	vst v63  }
0x26: {  	_ = 	snop  }
0x27: {  	[tilespmem:s18], [sflag:$0x3] =	stream.indirect.gather [spmem:s2], $0x40, s17, s14, $0xb8;
	[tilespmem:$0x1F100] =	vst v63  }
0x28: {  	_ =	swait.ge [sflag:s19], $0x2000  }
0x29: {  	[sflag:s19] =	ssyncset.done $0x0  }
0x2a: {  	s28 =	simm.s32 $0x2880;
	[sflag:s19] =	ssyncadd.s32 $0xFFFFE000  }
0x2b: {  	[spmem:s3] =	stream.indirect.scatter.add.f32 [tilespmem:s15], [sflag:$0x4], $0x40, s28, s14, $0xb8;
	[tilespmem:$0x1F100] =	vst v63  }
0x2c: {  	_ =	swait.ge [sflag:s9], $0x2000  }
0x2d: {  	[sflag:s9] =	ssyncset.done $0x0  }
0x2e: {  	s28 =	simm.s32 $0x180;
	[sflag:s9] =	ssyncadd.s32 $0xFFFFE000  }
0x2f: {  	[tilespmem:s15], [sflag:$0x1] =	stream.indirect.gather [spmem:s2], $0x40, s28, s14, $0xb8;
	[tilespmem:$0x1F100] =	vst v63  }
0x30: {  	_ =	swait.ge [sflag:s20], $0x2000  }
0x31: {  	[sflag:s20] =	ssyncset.done $0x0  }
0x32: {  	s28 =	simm.s32 $0x2900;
	[sflag:s20] =	ssyncadd.s32 $0xFFFFE000  }
0x33: {  	[spmem:s3] =	stream.indirect.scatter.add.f32 [tilespmem:s16], [sflag:$0x4], $0x40, s28, s14, $0xb8;
	[tilespmem:$0x1F100] =	vst v63  }
0x34: {  	_ =	swait.ge [sflag:s9], $0x2000  }
0x35: {  	[sflag:s9] =	ssyncset.done $0x0  }
0x36: {  	s28 =	simm.s32 $0x200;
	[sflag:s9] =	ssyncadd.s32 $0xFFFFE000  }
0x37: {  	[tilespmem:s16], [sflag:$0x2] =	stream.indirect.gather [spmem:s2], $0x40, s28, s14, $0xb8;
	[tilespmem:$0x1F100] =	vst v63  }
0x38: {  	_ =	swait.ge [sflag:s21], $0x2000  }
0x39: {  	[sflag:s21] =	ssyncset.done $0x0  }
0x3a: {  	s28 =	simm.s32 $0x2980;
	[sflag:s21] =	ssyncadd.s32 $0xFFFFE000  }
0x3b: {  	[spmem:s3] =	stream.indirect.scatter.add.f32 [tilespmem:s18], [sflag:$0x4], $0x40, s28, s14, $0xb8;
	[tilespmem:$0x1F100] =	vst v63  }
0x3c: {  	_ =	swait.ge [sflag:s9], $0x2000  }
0x3d: {  	[sflag:s9] =	ssyncset.done $0x0  }
0x3e: {  	s29 =	simm.s32 $0x280;
	s28 =	simm.s32 $0x600;
	[sflag:s9] =	ssyncadd.s32 $0xFFFFE000  }
.LBB2_2:
0x3f: {  	[tilespmem:s18], [sflag:$0x3] =	stream.indirect.gather [spmem:s2], $0x40, s29, s14, $0xb8;
	[tilespmem:$0x1F100] =	vst v63  }
0x40: {  	s29 =	smov.u32 s28  }
0x41: {  	p0 =	sne.s32 s28, $0x9600;
	s28 =	sadd.s32 $0x600, s28;
	_ =	swait.ge [sflag:s19], $0x2000  }
0x42: {  	s29 =	sshra.s32 s29, $0x2;
	[sflag:s19] =	ssyncset.done $0x0  }
0x43: {  	s30 =	sadd.s32 $0x2880, s29;
	[sflag:s19] =	ssyncadd.s32 $0xFFFFE000  }
0x44: {  	[spmem:s3] =	stream.indirect.scatter.add.f32 [tilespmem:s15], [sflag:$0x4], $0x40, s30, s14, $0xb8;
	[tilespmem:$0x1F100] =	vst v63  }
0x45: {  	_ =	swait.ge [sflag:s9], $0x2000  }
0x46: {  	[sflag:s9] =	ssyncset.done $0x0  }
0x47: {  	s30 =	sadd.s32 $0x180, s29;
	[sflag:s9] =	ssyncadd.s32 $0xFFFFE000  }
0x48: {  	[tilespmem:s15], [sflag:$0x1] =	stream.indirect.gather [spmem:s2], $0x40, s30, s14, $0xb8;
	[tilespmem:$0x1F100] =	vst v63  }
0x49: {  	_ =	swait.ge [sflag:s20], $0x2000  }
0x4a: {  	[sflag:s20] =	ssyncset.done $0x0  }
0x4b: {  	s30 =	sadd.s32 $0x2900, s29;
	[sflag:s20] =	ssyncadd.s32 $0xFFFFE000  }
0x4c: {  	[spmem:s3] =	stream.indirect.scatter.add.f32 [tilespmem:s16], [sflag:$0x4], $0x40, s30, s14, $0xb8;
	[tilespmem:$0x1F100] =	vst v63  }
0x4d: {  	_ =	swait.ge [sflag:s9], $0x2000  }
0x4e: {  	[sflag:s9] =	ssyncset.done $0x0  }
0x4f: {  	s30 =	sadd.s32 $0x200, s29;
	[sflag:s9] =	ssyncadd.s32 $0xFFFFE000  }
0x50: {  	[tilespmem:s16], [sflag:$0x2] =	stream.indirect.gather [spmem:s2], $0x40, s30, s14, $0xb8;
	[tilespmem:$0x1F100] =	vst v63  }
0x51: {  	_ =	swait.ge [sflag:s21], $0x2000  }
0x52: {  	[sflag:s21] =	ssyncset.done $0x0  }
.Ltmp0:
0x53: {  	s30 =	sadd.s32 $0x2980, s29;
	[sflag:s21] =	ssyncadd.s32 $0xFFFFE000;
	(pc) =	sbr.rel @p0 .LBB2_2-.Ltmp0, $4  }
0x54: {  	[spmem:s3] =	stream.indirect.scatter.add.f32 [tilespmem:s18], [sflag:$0x4], $0x40, s30, s14, $0xb8;
	[tilespmem:$0x1F100] =	vst v63  }
0x55: {  	_ =	swait.ge [sflag:s9], $0x2000  }
0x56: {  	[sflag:s9] =	ssyncset.done $0x0  }
0x57: {  	s29 =	sadd.s32 $0x280, s29;
	[sflag:s9] =	ssyncadd.s32 $0xFFFFE000  }
0x58: {  	[tilespmem:s18], [sflag:$0x3] =	stream.indirect.gather [spmem:s2], $0x40, s29, s14, $0xb8;
	[tilespmem:$0x1F100] =	vst v63  }
0x59: {  	_ =	swait.ge [sflag:s19], $0x2000  }
0x5a: {  	[sflag:s19] =	ssyncset.done $0x0  }
0x5b: {  	[sflag:s19] =	ssyncadd.s32 $0xFFFFE000  }
0x5c: {  	[spmem:s3] =	stream.indirect.scatter.add.f32 [tilespmem:s15], [sflag:$0x4], $0x40, s22, s14, $0xb8;
	[tilespmem:$0x1F100] =	vst v63  }
0x5d: {  	_ =	swait.ge [sflag:s9], $0x2000  }
0x5e: {  	[sflag:s9] =	ssyncset.done $0x0  }
0x5f: {  	[sflag:s9] =	ssyncadd.s32 $0xFFFFE000  }
0x60: {  	_ =	swait.ge [sflag:s20], $0x2000  }
0x61: {  	[sflag:s20] =	ssyncset.done $0x0  }
0x62: {  	[sflag:s20] =	ssyncadd.s32 $0xFFFFE000  }
0x63: {  	[spmem:s3] =	stream.indirect.scatter.add.f32 [tilespmem:s16], [sflag:$0x4], $0x40, s23, s14, $0xb8;
	[tilespmem:$0x1F100] =	vst v63  }
0x64: {  	_ =	swait.ge [sflag:s9], $0x2000  }
0x65: {  	[sflag:s9] =	ssyncset.done $0x0  }
0x66: {  	[sflag:s9] =	ssyncadd.s32 $0xFFFFE000  }
0x67: {  	_ =	swait.ge [sflag:s21], $0x2000  }
0x68: {  	[sflag:s21] =	ssyncset.done $0x0  }
0x69: {  	[sflag:s21] =	ssyncadd.s32 $0xFFFFE000  }
0x6a: {  	[spmem:s3] =	stream.indirect.scatter.add.f32 [tilespmem:s18], [sflag:$0x4], $0x40, s25, s14, $0xb8;
	[tilespmem:$0x1F100] =	vst v63  }
0x6b: {  	_ =	swait.ge [sflag:s9], $0x2000  }
0x6c: {  	s26 =	sadd.s32 $0x1, s26;
	[sflag:s9] =	ssyncset.done $0x0  }
0x6d: {  	p0 =	sne.s32 s26, s8;
	[sflag:s9] =	ssyncadd.s32 $0xFFFFE000  }
.Ltmp1:
0x6e: {  	[bflag:$0x0] =	sbarrier.arrive $0xFFFF;
	(pc) =	sbr.rel @p0 .LBB2_1-.Ltmp1, $4  }
0x6f: {  	[hbm:s24], [sflag:s11] =	dma.local [spmem:s13], $0x1400  }
0x70: {  	_ =	swait.ge [sflag:s9], $0x1400  }
0x71: {  	[sflag:s9] =	ssyncset.done $0x0  }
0x72: {  	[sflag:s9] =	ssyncadd.s32 $0xFFFFEC00  }
0x73: {  	_ =	sfence.sel $0x180000  }
0x74: {  	[bflag:$0x0] =	sbarrier.arrive $0xFFFF  }
0x75: {  	p0 =	sne.s32 s0, $0x0;
	_ =	strace $0x9000004D  }
0x76: {  	s0 =	sadd.s32 @!p0 $0x100000, s1;
	[bflag:$0x2] =	sbarrier.arrive $0xFFFF  }
0x77: {  	[sflag:s0] =	ssyncadd.tile.s32 @!p0 $0x1;
	_ =	shalt  }
.Lfunc_end2:
_tile_overlayer_lowered:
.L_overlay_start_2:
0x78: {  	(tag) =	ssettag $0x2  }
0x79: {  	s0 =	rddreg [dreg:$0x0];
	s2 =	stileid.u32  }
0x7a: {  	s1 =	rddreg [dreg:$0x1];
	p0 =	sne.s32 s2, $0x0  }
0x7b: {  	s3 =	rddreg [dreg:$0x2];
	[bflag:$0x3] =	sbarrier.arrive $0xFFFF;
	s2 =	simm.s32 @!p0 $0x1C04  }
0x7c: {  	[timem:s3], [sflag:s2] =	dma.local @!p0 [hbm:s0], s1  }
0x7d: {  	s0 =	simm.s32 @!p0 $0x4  }
0x7e: {  	_ =	swait.ge @!p0 [sflag:s0], s1  }
0x7f: {  	s1 =	ssub.s32 @!p0 $0x0, s1;
	[sflag:s0] =	ssyncset.done @!p0 $0x0  }
0x80: {  	[sflag:s0] =	ssyncadd.s32 @!p0 s1  }
0x81: {  	[bflag:$0x3] =	sbarrier.arrive $0xFFFF  }
0x82: {  	_ =	shalt  }

// kernel: kernel.8.cloned.1.call-start
scs
__scs_entry_jumppad:
0x0: {  	(pc) =	sbr.rel $0x88, $3  }
0x1: {  	(tag) =	ssettag $0x0;
	lr =	simm.s32 $0x1  }
0x2: {  	[smem:$0x3F9B] =	sst lr;
	_ =	strace $0xD0000000  }
0x3: {  	_ = 	snop  }
0x4: {  	_ = 	snop  }
0x5: {  	_ = 	snop  }
0x6: {  	_ = 	snop  }
0x7: {  	_ = 	snop  }
__scs_overlays_trampoline_lowered:
0x8: {  	[smem:$0x3FAA] =	sst s0  }
0x9: {  	[smem:$0x3FAB] =	sst s1  }
0xa: {  	[smem:$0x3FAC] =	sst s2  }
0xb: {  	[smem:$0x3FAD] =	sst s3  }
0xc: {  	[smem:$0x3FAE] =	sst s4  }
0xd: {  	[smem:$0x3FAF] =	sst s5  }
0xe: {  	[smem:$0x3FB0] =	sst s6  }
0xf: {  	[smem:$0x3FB1] =	sst s7  }
0x10: {  	[smem:$0x3FB2] =	sst s8  }
0x11: {  	[smem:$0x3FB3] =	sst s9;
	s0 =	simm.s32 @!p0 $0x0  }
0x12: {  	s1 =	sld [smem:$0x3F99];
	s0 =	simm.s32 @p0 $0x1  }
0x13: {  	[smem:$0x3FB4] =	sst s0;
	s0 =	simm.s32 @!p1 $0x0  }
0x14: {  	s2 =	sld [smem:$0x3F98];
	s0 =	simm.s32 @p1 $0x1  }
0x15: {  	[smem:$0x3FB5] =	sst s0;
	s0 =	simm.s32 @!p2 $0x0  }
0x16: {  	s3 =	sld [smem:$0x3FDB];
	s0 =	simm.s32 @p2 $0x1  }
0x17: {  	s4 =	simm.s32 $0x1BF5;
	[smem:$0x3FB7] =	sst s0  }
0x18: {  	s0 =	sld [smem:$0x3F9A];
	_ =	swait.ge [sflag:s4], $0x0  }
0x19: {  	s7 =	sld [smem:$0x3F9B]  }
0x1a: {  	s8 =	sadd.s32 $0xFFFFE003, lr  }
0x1b: {  	s9 =	sadd.s32 $0xFFFFFEF7, lr;
	s5 =	simm.s32 $0xFFFFFFFF;
	p2 =	slt.u32 s8, $0xFFFFF086  }
0x1c: {  	p1 =	slt.u32 s9, $0xF7A;
	s5 =	simm.s32 @!p2 $0x0  }
0x1d: {  	s5 =	simm.s32 @p1 $0x1;
	p0 =	seq.s32 s7, s2  }
0x1e: {  	s7 =	smul.u32 @!p0 $0xF7A, s2;
	p2 =	seq.s32 @!p0 s5, $0x0  }
0x1f: {  	s9 =	smul.u32 $0xF7A, s1;
	s8 =	simm.s32 @!p0 $0x1BF5;
	p2 =	por !p2, p0  }
0x20: {  	[sflag:s8] =	ssyncset.s32 @!p0 $0xFFFFF086;
	s6 =	sadd.s32 @!p0 s3, s7;
	s7 =	simm.s32 @!p0 $0x108  }
0x21: {  	s3 =	sadd.s32 s3, s9;
	s6 =	sadd.s32 @!p0 $0x88, s6;
	s7 =	simm.s32 @p2 $0x1082  }
0x22: {  	[simem:s7], [sflag:s8] =	dma.local @!p0 [hbm:s6], $0xF7A  }
0x23: {  	s9 =	sor.u32 $0xD0000000, s2;
	s6 =	simm.s32 $0x108;
	_ =	swait.ge @!p0 [sflag:s8], $0x0  }
0x24: {  	s3 =	sadd.s32 $0x88, s3;
	s6 =	simm.s32 @!p1 $0x1082;
	[sflag:s4] =	ssyncset.s32 $0xFFFFF086  }
0x25: {  	[simem:s6], [sflag:s4] =	dma.local [hbm:s3], $0xF7A  }
0x26: {  	[smem:$0x3F9B] =	sst s1;
	(tag) =	ssettag s2;
	_ =	strace s9  }
0x27: {  	s1 =	sld [smem:$0x3FAB]  }
0x28: {  	s2 =	sld [smem:$0x3FAC]  }
0x29: {  	s4 =	sld [smem:$0x3FAE]  }
0x2a: {  	p0 =	seq.s32 s5, $0x0;
	s5 =	sld [smem:$0x3FAF]  }
0x2b: {  	s6 =	sld [smem:$0x3FB0]  }
0x2c: {  	s7 =	sld [smem:$0x3FB1]  }
0x2d: {  	s3 =	simm.s32 $0x108;
	s8 =	sld [smem:$0x3FB2]  }
0x2e: {  	s3 =	simm.s32 @!p0 $0x1082;
	s9 =	sld [smem:$0x3FB3]  }
0x2f: {  	lr =	sadd.s32 s0, s3;
	s0 =	sld [smem:$0x3FAA]  }
0x30: {  	s3 =	sld [smem:$0x3FAD]  }
0x31: {  	[smem:$0x3FB6] =	sst s10  }
0x32: {  	s10 =	sld [smem:$0x3FB4];
	_ =	sdelay $0x3  }
0x33: {  	p0 =	seq.s32 s10, $0x1;
	s10 =	sld [smem:$0x3FB6];
	_ =	sdelay $0x3  }
0x34: {  	[smem:$0x3FB6] =	sst s10  }
0x35: {  	s10 =	sld [smem:$0x3FB5];
	_ =	sdelay $0x3  }
0x36: {  	p1 =	seq.s32 s10, $0x1;
	s10 =	sld [smem:$0x3FB6];
	_ =	sdelay $0x3  }
0x37: {  	[smem:$0x3FB6] =	sst s10  }
0x38: {  	s10 =	sld [smem:$0x3FB7]  }
0x39: {  	_ = 	snop;
	(pc) =	sbr.ind lr, $3  }
0x3a: {  	_ = 	snop  }
0x3b: {  	_ = 	snop  }
0x3c: {  	p2 =	seq.s32 s10, $0x1;
	s10 =	sld [smem:$0x3FB6]  }
0x3d: {  	_ =	shalt  }
0x3e: {  	_ =	shalt  }
0x3f: {  	_ =	shalt  }
0x40: {  	_ =	shalt  }
0x41: {  	_ =	shalt  }
0x42: {  	_ =	shalt  }
0x43: {  	_ =	shalt  }
0x44: {  	_ =	shalt  }
0x45: {  	_ =	shalt  }
0x46: {  	_ =	shalt  }
0x47: {  	_ =	shalt  }
0x48: {  	_ =	shalt  }
0x49: {  	_ =	shalt  }
0x4a: {  	_ =	shalt  }
0x4b: {  	_ =	shalt  }
0x4c: {  	_ =	shalt  }
0x4d: {  	_ =	shalt  }
0x4e: {  	_ =	shalt  }
0x4f: {  	_ =	shalt  }
0x50: {  	_ =	shalt  }
0x51: {  	_ =	shalt  }
0x52: {  	_ =	shalt  }
0x53: {  	_ =	shalt  }
0x54: {  	_ =	shalt  }
0x55: {  	_ =	shalt  }
0x56: {  	_ =	shalt  }
0x57: {  	_ =	shalt  }
0x58: {  	_ =	shalt  }
0x59: {  	_ =	shalt  }
0x5a: {  	_ =	shalt  }
0x5b: {  	_ =	shalt  }
0x5c: {  	_ =	shalt  }
0x5d: {  	_ =	shalt  }
0x5e: {  	_ =	shalt  }
0x5f: {  	_ =	shalt  }
0x60: {  	_ =	shalt  }
0x61: {  	_ =	shalt  }
0x62: {  	_ =	shalt  }
0x63: {  	_ =	shalt  }
0x64: {  	_ =	shalt  }
0x65: {  	_ =	shalt  }
0x66: {  	_ =	shalt  }
0x67: {  	_ =	shalt  }
0x68: {  	_ =	shalt  }
0x69: {  	_ =	shalt  }
0x6a: {  	_ =	shalt  }
0x6b: {  	_ =	shalt  }
0x6c: {  	_ =	shalt  }
0x6d: {  	_ =	shalt  }
0x6e: {  	_ =	shalt  }
0x6f: {  	_ =	shalt  }
0x70: {  	_ =	shalt  }
0x71: {  	_ =	shalt  }
0x72: {  	_ =	shalt  }
0x73: {  	_ =	shalt  }
0x74: {  	_ =	shalt  }
0x75: {  	_ =	shalt  }
0x76: {  	_ =	shalt  }
0x77: {  	_ =	shalt  }
0x78: {  	_ =	shalt  }
0x79: {  	_ =	shalt  }
0x7a: {  	_ =	shalt  }
0x7b: {  	_ =	shalt  }
0x7c: {  	_ =	shalt  }
0x7d: {  	_ =	shalt  }
0x7e: {  	_ =	shalt  }
0x7f: {  	_ =	shalt  }
0x80: {  	_ =	shalt  }
0x81: {  	_ =	shalt  }
0x82: {  	_ =	shalt  }
0x83: {  	_ =	shalt  }
0x84: {  	_ =	shalt  }
0x85: {  	_ =	shalt  }
0x86: {  	_ =	shalt  }
0x87: {  	_ =	shalt  }
.Lfunc_end0:
.L_simem_size_0:
called_computation_lowered:
.L_overlay_start_0:
0x88: {  	s2 =	sld [smem:$0x3FD9]  }
0x89: {  	s3 =	sld [smem:$0x3FFE];
	_ =	sdelay $0x1  }
0x8a: {  	s1 =	srdreg.scid  }
0x8b: {  	s0 =	sand.u32 $0x1, s1  }
0x8c: {  	s17 =	sshll.u32 s0, $0xA;
	s2 =	sadd.s32 s3, s2  }
0x8d: {  	s2 =	sadd.s32 s2, s17  }
0x8e: {  	[smem:$0x3FC2] =	sst s2  }
0x8f: {  	_ = 	snop  }
0x90: {  	s2 =	sld [smem:$0x3FD0];
	(tm) =	ssettm $0x1  }
0x91: {  	s18 =	sld [smem:$0x3FFB];
	_ =	sdelay $0x3  }
0x92: {  	_ =	strace s18  }
0x93: {  	s3 =	sld [smem:$0x3FFC];
	_ =	sdelay $0x3  }
0x94: {  	_ =	strace s3  }
0x95: {  	s3 =	sld [smem:$0x3FFD];
	_ =	sdelay $0x3  }
0x96: {  	_ =	strace s3  }
0x97: {  	_ =	strace $0x8FFFFFFF  }
0x98: {  	s19 =	sld [smem:$0x3FDB];
	_ =	sdelay $0x1  }
0x99: {  	s4 =	simm.s32 $_scs_section_size  }
0x9a: {  	s5 =	simm.s32 $_size__tile_overlayer_lowered;
	s6 =	simm.s32 $_tile_overlayer_lowered  }
0x9b: {  	s22 =	simm.s32 $0x1BFF;
	s21 =	sshll.u32 s6, $0x1;
	s3 =	sadd.s32 s4, s19  }
0x9c: {  	s7 =	simm.s32 $0x0;
	s20 =	sshll.u32 s5, $0x1;
	s5 =	sadd.s32 s21, s3  }
0x9d: {  	[timem:s7], [sflag:s22] =	dma.local [hbm:s5], s20  }
0x9e: {  	_ =	swait.ge [sflag:s22], s20  }
0x9f: {  	s4 =	ssub.s32 $0x0, s20;
	[sflag:s22] =	ssyncset.done $0x0  }
0xa0: {  	[sflag:s22] =	ssyncadd.s32 s4;
	_ =	sdelay $0x1  }
0xa1: {  	s23 =	simm.s32 $0x1B8B  }
0xa2: {  	_ =	swait.ge [sflag:s23], $0x1  }
0xa3: {  	[sflag:s23] =	ssyncset.done $0x0  }
0xa4: {  	s25 =	simm.s32 $0x1B8E;
	s24 =	sld [smem:$0x3FFE];
	[sflag:s23] =	ssyncadd.s32 $0xFFFFFFFF  }
0xa5: {  	s26 =	simm.s32 $execute0_lowered;
	[smem:$0x3FD2] =	sst s25  }
0xa6: {  	s5 =	sshll.u32 s26, $0x1;
	_ =	strace $0x80000046;
	[dreg:$0x1] =	wrdreg $0xFFFFFFFF  }
0xa7: {  	s28 =	simm.s32 $_size_execute0_lowered;
	s3 =	sadd.s32 s3, s5;
	[dreg:$0x0] =	wrdreg $0x0  }
0xa8: {  	s5 =	sshll.u32 s28, $0x1;
	[dreg:$0x2] =	wrdreg s3  }
0xa9: {  	[dreg:$0x3] =	wrdreg s5  }
0xaa: {  	[dreg:$0x4] =	wrdreg $0xC0  }
0xab: {  	_ =	task [dreg:s7], $0x5FFFF  }
0xac: {  	[dreg:$0x1] =	wrdreg $0xFFFFFFFF  }
0xad: {  	[dreg:$0x0] =	wrdreg $0x60  }
0xae: {  	[dreg:$0x2] =	wrdreg s24  }
0xaf: {  	[dreg:$0x3] =	wrdreg s2  }
0xb0: {  	[dreg:$0x4] =	wrdreg $0x30800  }
0xb1: {  	[dreg:$0x5] =	wrdreg $0x9  }
0xb2: {  	_ =	task.clear_ibuf [dreg:s7], $0x6FFFF;
	_ =	strace $0x90000046  }
0xb3: {  	s29 =	simm.s32 $0x9;
	_ =	strace $0x80000048  }
0xb4: {  	_ =	swait.ge [sflag:s29], $0x1  }
0xb5: {  	[sflag:s29] =	ssyncadd.s32 $0xFFFFFFFF  }
0xb6: {  	_ =	strace $0x90000048  }
0xb7: {  	_ =	sfence  }
0xb8: {  	s30 =	sld [smem:$0x0];
	_ =	sdelay $0x2  }
0xb9: {  	s31 =	sshll.u32 s1, $0xD;
	s1 =	sshrl.u32 s1, $0x2  }
0xba: {  	s3 =	sand.u32 $0x4000, s31;
	s1 =	sadd.s32 s1, s30  }
0xbb: {  	s0 =	sor.u32 s3, s0;
	s1 =	sshll.u32 s1, $0x11  }
0xbc: {  	s0 =	sor.u32 s1, s0  }
0xbd: {  	s0 =	sadd.s32 $0x8F2B, s0  }
0xbe: {  	[sflag:s0] =	ssyncadd.remote.s32 $0x1  }
0xbf: {  	_ =	sfence.sel $0xFFFF  }
0xc0: {  	[dreg:$0x0] =	wrdreg $0xFFFFFFFF;
	(pc) =	sbr.abs _section_cstart, $3  }
0xc1: {  	[dreg:$0x1] =	wrdreg $0xFFFFFFFF  }
0xc2: {  	_ =	task.clear_ibuf [dreg:s7], $0x2FFFF;
	_ =	strace $0x9FFFFFFF  }
0xc3: {  	(tm) =	ssettm $0x7FFFFFFF  }
tec
execute0_lowered:
.L_overlay_start_1:
0x0: {  	(tag) =	ssettag $0x1  }
0x1: {  	s5 =	rddreg [dreg:$0x0]  }
0x2: {  	s1 =	rddreg [dreg:$0x1]  }
0x3: {  	s2 =	rddreg [dreg:$0x2]  }
0x4: {  	s3 =	srdreg.scid;
	s0 =	rddreg [dreg:$0x3]  }
0x5: {  	s4 =	simm.s32 $0x0;
	s6 =	sand.u32 $0x1, s3;
	s3 =	stileid.u32  }
0x6: {  	[smem:$0x7FF] =	sst s4;
	s7 =	sshll.u32 s6, $0x4;
	s8 =	smul.u32 $0x2800, s3  }
0x7: {  	_ =	strace $0x80000047;
	s9 =	smul.u32 $0x5000, s6;
	s6 =	ssub.s32 $0x2, s6  }
0x8: {  	s31 =	sshll.u32 s3, $0x6;
	s7 =	sor.u32 s3, s7;
	s11 =	sshrl.u32 s6, $0x1  }
0x9: {  	s7 =	smul.u32 $0x510, s7;
	s13 =	sshrl.u32 s8, $0x3;
	s9 =	sadd.s32 s9, s5  }
0xa: {  	s11 =	ssub.s32 s6, s11;
	s12 =	sadd.s32 s8, s2;
	s8 =	simm.s32 $0x1  }
0xb: {  	s10 =	sadd.s32 s13, s5;
	s14 =	sadd.s32 $0x10200, s9;
	s9 =	simm.s32 $0x2880  }
0xc: {  	s7 =	sadd.s32 s7, s5;
	s6 =	sadd.s32 $0xB200, s10;
	s10 =	sor.u32 $0x1C01, s31  }
0xd: {  	s13 =	sadd.s32 s13, s14;
	s14 =	simm.s32 $0x0;
	s5 =	sadd.s32 $0x1000, s7  }
0xe: {  	s7 =	smax.u32 s11, $0x1;
	s11 =	sshrl.u32 s12, $0x3;
	s12 =	simm.s32 $0x80  }
.LBB2_1:
0xf: {  	[tilespmem:s4], [sflag:$0x1] =	stream.linear.gather [hbm4b:s5+s4], $0x2880, $0x38;
	[tilespmem:$0x5880] =	vst v63  }
0x10: {  	_ =	swait.ge [sflag:s8], $0x2880  }
0x11: {  	[sflag:s8] =	ssyncset.done $0x0  }
0x12: {  	[sflag:s8] =	ssyncadd.s32 $0xFFFFD780  }
0x13: {  	[tilespmem:s9], [sflag:$0x1] =	stream.linear.gather [hbm4b:s1+s4], $0x800, $0x38;
	[tilespmem:$0x5880] =	vst v63  }
0x14: {  	_ =	swait.ge [sflag:s8], $0x800  }
0x15: {  	[sflag:s8] =	ssyncset.done $0x0  }
0x16: {  	[sflag:s8] =	ssyncadd.s32 $0xFFFFF800  }
0x17: {  	[spmem:s11], [sflag:s10] =	dma.local [hbm:s6], $0x500  }
0x18: {  	_ =	swait.ge [sflag:s8], $0x500  }
0x19: {  	[sflag:s8] =	ssyncset.done $0x0  }
0x1a: {  	[sflag:s8] =	ssyncadd.s32 $0xFFFFFB00  }
0x1b: {  	s15 =	simm.s32 $0x0;
	[bflag:$0x0] =	sbarrier.arrive $0xFFFF  }
0x1c: {  	[spmem:s2] =	stream.indirect.scatter.add.f32 [tilespmem:s9], [sflag:$0x1], $0x10, s15, s12, $0xb8;
	[tilespmem:$0x5880] =	vst v63  }
0x1d: {  	_ =	swait.ge [sflag:s8], $0x800  }
0x1e: {  	s15 =	simm.s32 $0x200;
	[sflag:s8] =	ssyncset.done $0x0  }
.LBB2_2:
0x1f: {  	s16 =	sshra.s32 s15, $0x2;
	[sflag:s8] =	ssyncadd.s32 $0xFFFFF800;
	p0 =	sne.s32 s15, $0xA000  }
0x20: {  	[spmem:s2] =	stream.indirect.scatter.add.f32 [tilespmem:s9], [sflag:$0x1], $0x10, s16, s12, $0xb8;
	[tilespmem:$0x5880] =	vst v63  }
.Ltmp0:
0x21: {  	_ = 	snop;
	(pc) =	sbr.rel @p0 .LBB2_2-.Ltmp0, $4  }
0x22: {  	_ = 	snop  }
0x23: {  	s15 =	sadd.s32 $0x200, s15  }
0x24: {  	_ =	swait.ge [sflag:s8], $0x800  }
0x25: {  	[sflag:s8] =	ssyncset.done $0x0  }
0x26: {  	s14 =	sadd.s32 $0x1, s14  }
0x27: {  	[sflag:s8] =	ssyncadd.s32 $0xFFFFF800;
	p0 =	sne.s32 s14, s7  }
.Ltmp1:
0x28: {  	[bflag:$0x0] =	sbarrier.arrive $0xFFFF;
	(pc) =	sbr.rel @p0 .LBB2_1-.Ltmp1, $4  }
0x29: {  	[hbm:s13], [sflag:s10] =	dma.local [spmem:s11], $0x500  }
0x2a: {  	_ =	swait.ge [sflag:s8], $0x500  }
0x2b: {  	[sflag:s8] =	ssyncset.done $0x0  }
0x2c: {  	[sflag:s8] =	ssyncadd.s32 $0xFFFFFB00  }
0x2d: {  	_ =	sfence.sel $0x180000  }
0x2e: {  	[bflag:$0x0] =	sbarrier.arrive $0xFFFF  }
0x2f: {  	p0 =	sne.s32 s3, $0x0;
	_ =	strace $0x90000047  }
0x30: {  	s0 =	sadd.s32 @!p0 $0x100000, s0;
	[bflag:$0x2] =	sbarrier.arrive $0xFFFF  }
0x31: {  	[sflag:s0] =	ssyncadd.tile.s32 @!p0 $0x1;
	_ =	shalt  }
.Lfunc_end2:
_tile_overlayer_lowered:
.L_overlay_start_2:
0x32: {  	(tag) =	ssettag $0x2  }
0x33: {  	s0 =	rddreg [dreg:$0x0];
	s2 =	stileid.u32  }
0x34: {  	s1 =	rddreg [dreg:$0x1];
	p0 =	sne.s32 s2, $0x0  }
0x35: {  	s3 =	rddreg [dreg:$0x2];
	[bflag:$0x3] =	sbarrier.arrive $0xFFFF;
	s2 =	simm.s32 @!p0 $0x1C01  }
0x36: {  	[timem:s3], [sflag:s2] =	dma.local @!p0 [hbm:s0], s1  }
0x37: {  	s0 =	simm.s32 @!p0 $0x1  }
0x38: {  	_ =	swait.ge @!p0 [sflag:s0], s1  }
0x39: {  	s1 =	ssub.s32 @!p0 $0x0, s1;
	[sflag:s0] =	ssyncset.done @!p0 $0x0  }
0x3a: {  	[sflag:s0] =	ssyncadd.s32 @!p0 s1  }
0x3b: {  	[bflag:$0x3] =	sbarrier.arrive $0xFFFF  }
0x3c: {  	_ =	shalt  }

</sc_bundles>
